<compile_context>
chip_gen: v7x
topology: tpu7x:2x2x1
jax: 0.10.2.dev20260603
libtpu: 0.0.44.dev20260713+nightly
codegen_flags: <defaults>
</compile_context>

<pallas_src>
import jax
import jax.numpy as jnp
from jax import lax
from jax.experimental import pallas as pl
from jax.experimental.pallas import tpu as pltpu
from jax.experimental.pallas import tpu_sc as plsc

NUM_FIELDS = 26
VOCAB = 100000
EMBED_DIM = 32
BATCH = 16384

NC = 2
NS = 16
L = 16
NW = NC * NS
BW = BATCH // NW
IDXW = BW * NUM_FIELDS
NDMA = 13
DSZ = IDXW // NDMA

VB = 2560
NVB = (VOCAB + VB - 1) // VB


def _tc_body(wl_ref, wh_ref, tab_ref, gl_ref, gh_ref):
    t = tab_ref[...]
    dn = (((1,), (1,)), ((0,), (0,)))
    gl_ref[...] = lax.dot_general(wl_ref[...], t, dn,
                                  preferred_element_type=jnp.float32)
    gh_ref[...] = lax.dot_general(wh_ref[...], t, dn,
                                  preferred_element_type=jnp.float32)


def _sc_body(idx_hbm, gl_hbm, gh_hbm, bl_hbm, bh_hbm,
             outp_hbm, outl_hbm,
             idxv, gbl, gbh, blv, bhv, outp_v, outl_v, sem_g):
    wid = lax.axis_index("s") * NC + lax.axis_index("c")
    base = wid * IDXW

    pltpu.sync_copy(bl_hbm, blv)
    pltpu.sync_copy(bh_hbm, bhv)
    pltpu.sync_copy(idx_hbm.at[pl.ds(base, IDXW)], idxv)

    copies = []
    for j in range(NDMA):
        s = pl.ds(j * DSZ, DSZ)
        copies.append(pltpu.async_copy(gl_hbm.at[idxv.at[s]], gbl.at[s], sem_g))
        copies.append(pltpu.async_copy(gh_hbm.at[idxv.at[s]], gbh.at[s], sem_g))
    for c in copies:
        c.wait()

    def blk_body(i, carry):
        accl = blv[...]
        acch = bhv[...]

        def f_body(f, acc):
            al, ah = acc
            q = f * BW + i * L
            return (al + gbl[pl.ds(q, L)], ah + gbh[pl.ds(q, L)])

        accl, acch = lax.fori_loop(0, NUM_FIELDS, f_body, (accl, acch))
        outp_v[pl.ds(i * L, L)] = 1.0 / (1.0 + jnp.exp(-accl))
        outl_v[pl.ds(i * L, L)] = jnp.exp(acch)
        return 0

    lax.fori_loop(0, BW // L, blk_body, 0)

    pltpu.sync_copy(outp_v, outp_hbm.at[pl.ds(wid * BW, BW)])
    pltpu.sync_copy(outl_v, outl_hbm.at[pl.ds(wid * BW, BW)])


@jax.jit
def _run(flat_idx, tab_t, wl, wh, bl, bh):
    gl, gh = pl.pallas_call(
        _tc_body,
        grid=(NVB,),
        in_specs=[
            pl.BlockSpec((NUM_FIELDS, EMBED_DIM), lambda v: (0, 0)),
            pl.BlockSpec((NUM_FIELDS, EMBED_DIM), lambda v: (0, 0)),
            pl.BlockSpec((NUM_FIELDS, EMBED_DIM, VB), lambda v: (0, 0, v)),
        ],
        out_specs=[
            pl.BlockSpec((NUM_FIELDS, VB), lambda v: (0, v)),
            pl.BlockSpec((NUM_FIELDS, VB), lambda v: (0, v)),
        ],
        out_shape=[jax.ShapeDtypeStruct((NUM_FIELDS, VOCAB), jnp.float32),
                   jax.ShapeDtypeStruct((NUM_FIELDS, VOCAB), jnp.float32)],
    )(wl, wh, tab_t)

    gl1 = gl.reshape(-1)
    gh1 = gh.reshape(-1)

    mesh = plsc.VectorSubcoreMesh(core_axis_name="c", subcore_axis_name="s",
                                  num_cores=NC, num_subcores=NS)
    call = pl.kernel(
        _sc_body,
        out_type=[jax.ShapeDtypeStruct((BATCH,), jnp.float32),
                  jax.ShapeDtypeStruct((BATCH,), jnp.float32)],
        mesh=mesh,
        compiler_params=pltpu.CompilerParams(
            use_tc_tiling_on_sc=False, needs_layout_passes=False),
        scratch_types=[
            pltpu.VMEM((IDXW,), jnp.int32),
            pltpu.VMEM((IDXW,), jnp.float32),
            pltpu.VMEM((IDXW,), jnp.float32),
            pltpu.VMEM((L,), jnp.float32),
            pltpu.VMEM((L,), jnp.float32),
            pltpu.VMEM((BW,), jnp.float32),
            pltpu.VMEM((BW,), jnp.float32),
            pltpu.SemaphoreType.DMA,
        ],
    )
    return call(flat_idx, gl1, gh1, bl, bh)


def kernel(category_inputs, tables, W_log, b_log, W_haz, b_haz):
    offs = jnp.arange(NUM_FIELDS, dtype=jnp.int32) * VOCAB
    flat = category_inputs + offs[None, :]
    flat_idx = flat.reshape(NW, BW, NUM_FIELDS).transpose(0, 2, 1).reshape(-1)
    tab_t = jnp.swapaxes(tables, 1, 2)
    wl = W_log.reshape(NUM_FIELDS, EMBED_DIM)
    wh = W_haz.reshape(NUM_FIELDS, EMBED_DIM)
    bl = jnp.broadcast_to(b_log.reshape(1), (L,))
    bh = jnp.broadcast_to(b_haz.reshape(1), (L,))
    p, lam = _run(flat_idx, tab_t, wl, wh, bl, bh)
    return p.reshape(BATCH, 1), lam.reshape(BATCH, 1)

# --- scband reference (transcript-rebuilt; emitter-appended) ---
"""Pipeline reference for scband-delayed-feedback-model-89756226552049 (READ-ONLY COPY).

The authoritative reference and input builder live on the scoring server;
editing this copy changes nothing except your own understanding.
"""

import jax, jax.numpy as jnp
import numpy as np

NUM_FIELDS = 26
VOCAB = 100000
EMBED_DIM = 32
BATCH = 16384
INPUT_DIM = NUM_FIELDS * EMBED_DIM


def setup_inputs(seed: int = 0) -> dict:
    key = jax.random.key(seed)
    k_idx, k_tab, k_wl, k_bl, k_wh, k_bh = jax.random.split(key, 6)
    category_inputs = jax.random.randint(k_idx, (BATCH, NUM_FIELDS), 0, VOCAB, dtype=jnp.int32)
    tables = jax.random.normal(k_tab, (NUM_FIELDS, VOCAB, EMBED_DIM), dtype=jnp.float32) * 0.05
    W_log = jax.random.normal(k_wl, (INPUT_DIM, 1), dtype=jnp.float32) * 0.02
    b_log = jnp.zeros((1,), dtype=jnp.float32)
    W_haz = jax.random.normal(k_wh, (INPUT_DIM, 1), dtype=jnp.float32) * 0.02
    b_haz = jnp.zeros((1,), dtype=jnp.float32)
    return {
        "category_inputs": category_inputs,
        "tables": tables,
        "W_log": W_log,
        "b_log": b_log,
        "W_haz": W_haz,
        "b_haz": b_haz,
    }


def reference(category_inputs, tables, W_log, b_log, W_haz, b_haz):
    # FeatureExtractor: per-field embedding lookup, concat along feature dim
    # tables[i][category_inputs[:, i]] -> [B, D] for each field
    gathered = jax.vmap(lambda t, ix: jnp.take(t, ix, axis=0), in_axes=(0, 1))(tables, category_inputs)  # [F, B, D]
    h = jnp.transpose(gathered, (1, 0, 2)).reshape(category_inputs.shape[0], -1)  # [B, F*D]
    # LogisticRegression
    p = jax.nn.sigmoid(h @ W_log + b_log)  # [B, 1]
    # HazardFunction
    lam = jnp.exp(h @ W_haz + b_haz)  # [B, 1]
    return (p, lam)

if __name__ == "__main__":
    import jax
    _d = setup_inputs()
    print(jax.jit(kernel)(*tuple(_d.values())))

</pallas_src>

<mosaic_0001>
#map = affine_map<(d0, d1) -> (0)>
module attributes {stable_mosaic.version = 14 : i64} {
  func.func @_sc_body(%arg0: i32, %arg1: i32, %arg2: memref<425984xi32, #tpu.memory_space<hbm>>, %arg3: memref<2600000xf32, #tpu.memory_space<hbm>>, %arg4: memref<2600000xf32, #tpu.memory_space<hbm>>, %arg5: memref<16xf32, #tpu.memory_space<hbm>>, %arg6: memref<16xf32, #tpu.memory_space<hbm>>, %arg7: memref<16384xf32, #tpu.memory_space<hbm>>, %arg8: memref<16384xf32, #tpu.memory_space<hbm>>, %arg9: memref<13312xi32, #tpu.memory_space<vmem>>, %arg10: memref<13312xf32, #tpu.memory_space<vmem>>, %arg11: memref<13312xf32, #tpu.memory_space<vmem>>, %arg12: memref<16xf32, #tpu.memory_space<vmem>>, %arg13: memref<16xf32, #tpu.memory_space<vmem>>, %arg14: memref<512xf32, #tpu.memory_space<vmem>>, %arg15: memref<512xf32, #tpu.memory_space<vmem>>, %arg16: memref<!tpu.dma_semaphore, #tpu.memory_space<semaphore_mem>>) attributes {dimension_semantics = [#tpu.dimension_semantics<core_parallel>, #tpu.dimension_semantics<subcore_parallel>], iteration_bounds = array<i64: 2, 16>, scalar_prefetch = 0 : i64, scratch_operands = 8 : i64, tpu.core_type = #tpu.core_type<sc_vector_subcore>, window_params = [{transform_indices = #map}, {transform_indices = #map}, {transform_indices = #map}, {transform_indices = #map}, {transform_indices = #map}, {transform_indices = #map}, {transform_indices = #map}]} {
    %mul3A = arith.constant 2 : i32
    %mul3A_0 = arith.muli %arg1, %mul3A : i32
    %add3A = arith.addi %mul3A_0, %arg0 : i32
    %mul3A_1 = arith.constant 13312 : i32
    %mul3A_2 = arith.muli %add3A, %mul3A_1 : i32
    "tpu.region"() ({
      %run_scoped3A = tpu.sem_alloc : memref<!tpu.dma_semaphore, #tpu.memory_space<semaphore_mem>>
      tpu.enqueue_dma source(%arg5 : memref<16xf32, #tpu.memory_space<hbm>>) target(%arg12 : memref<16xf32, #tpu.memory_space<vmem>>) target_semaphore(%run_scoped3A : memref<!tpu.dma_semaphore, #tpu.memory_space<semaphore_mem>>)
      tpu.wait_dma2 semaphore(%run_scoped3A : memref<!tpu.dma_semaphore, #tpu.memory_space<semaphore_mem>>) src(%arg5 : memref<16xf32, #tpu.memory_space<hbm>>) dst(%arg12 : memref<16xf32, #tpu.memory_space<vmem>>)
      tpu.yield
    }) : () -> ()
    "tpu.region"() ({
      %run_scoped3A = tpu.sem_alloc : memref<!tpu.dma_semaphore, #tpu.memory_space<semaphore_mem>>
      tpu.enqueue_dma source(%arg6 : memref<16xf32, #tpu.memory_space<hbm>>) target(%arg13 : memref<16xf32, #tpu.memory_space<vmem>>) target_semaphore(%run_scoped3A : memref<!tpu.dma_semaphore, #tpu.memory_space<semaphore_mem>>)
      tpu.wait_dma2 semaphore(%run_scoped3A : memref<!tpu.dma_semaphore, #tpu.memory_space<semaphore_mem>>) src(%arg6 : memref<16xf32, #tpu.memory_space<hbm>>) dst(%arg13 : memref<16xf32, #tpu.memory_space<vmem>>)
      tpu.yield
    }) : () -> ()
    "tpu.region"() ({
      %run_scoped3A = tpu.sem_alloc : memref<!tpu.dma_semaphore, #tpu.memory_space<semaphore_mem>>
      %dma_start3A_323 = tpu.memref_slice %arg2[%mul3A_2] : memref<425984xi32, #tpu.memory_space<hbm>> -> memref<13312xi32, #tpu.memory_space<hbm>>
      %dma_start3A_324 = tpu.memref_slice %arg2[%mul3A_2] : memref<425984xi32, #tpu.memory_space<hbm>> -> memref<13312xi32, #tpu.memory_space<hbm>>
      tpu.enqueue_dma source(%dma_start3A_324 : memref<13312xi32, #tpu.memory_space<hbm>>) target(%arg9 : memref<13312xi32, #tpu.memory_space<vmem>>) target_semaphore(%run_scoped3A : memref<!tpu.dma_semaphore, #tpu.memory_space<semaphore_mem>>)
      %dma_wait3A_325 = tpu.memref_slice %arg2[%mul3A_2] : memref<425984xi32, #tpu.memory_space<hbm>> -> memref<13312xi32, #tpu.memory_space<hbm>>
      %dma_wait3A_326 = tpu.memref_slice %arg2[%mul3A_2] : memref<425984xi32, #tpu.memory_space<hbm>> -> memref<13312xi32, #tpu.memory_space<hbm>>
      tpu.wait_dma2 semaphore(%run_scoped3A : memref<!tpu.dma_semaphore, #tpu.memory_space<semaphore_mem>>) src(%dma_wait3A_326 : memref<13312xi32, #tpu.memory_space<hbm>>) dst(%arg9 : memref<13312xi32, #tpu.memory_space<vmem>>)
      tpu.yield
    }) : () -> ()
    %dma_start3A = arith.constant 0 : i32
    %dma_start3A_3 = tpu.memref_slice %arg10[%dma_start3A] : memref<13312xf32, #tpu.memory_space<vmem>> -> memref<1024xf32, #tpu.memory_space<vmem>>
    %dma_start3A_4 = arith.constant 0 : i32
    %dma_start3A_5 = tpu.memref_slice %arg9[%dma_start3A_4] : memref<13312xi32, #tpu.memory_space<vmem>> -> memref<1024xi32, #tpu.memory_space<vmem>>
    %dma_start3A_6 = arith.constant 0 : i32
    %dma_start3A_7 = tpu.memref_slice %arg3[%dma_start3A_6] : memref<2600000xf32, #tpu.memory_space<hbm>> -> memref<2600000xf32, #tpu.memory_space<hbm>>
    tpu.enqueue_indirect_dma source(%dma_start3A_7 : memref<2600000xf32, #tpu.memory_space<hbm>>) target(%dma_start3A_3 : memref<1024xf32, #tpu.memory_space<vmem>>) offsets(%dma_start3A_5 : memref<1024xi32, #tpu.memory_space<vmem>>) semaphore(%arg16 : memref<!tpu.dma_semaphore, #tpu.memory_space<semaphore_mem>>)
    %dma_start3A_8 = arith.constant 0 : i32
    %dma_start3A_9 = tpu.memref_slice %arg11[%dma_start3A_8] : memref<13312xf32, #tpu.memory_space<vmem>> -> memref<1024xf32, #tpu.memory_space<vmem>>
    %dma_start3A_10 = arith.constant 0 : i32
    %dma_start3A_11 = tpu.memref_slice %arg9[%dma_start3A_10] : memref<13312xi32, #tpu.memory_space<vmem>> -> memref<1024xi32, #tpu.memory_space<vmem>>
    %dma_start3A_12 = arith.constant 0 : i32
    %dma_start3A_13 = tpu.memref_slice %arg4[%dma_start3A_12] : memref<2600000xf32, #tpu.memory_space<hbm>> -> memref<2600000xf32, #tpu.memory_space<hbm>>
    tpu.enqueue_indirect_dma source(%dma_start3A_13 : memref<2600000xf32, #tpu.memory_space<hbm>>) target(%dma_start3A_9 : memref<1024xf32, #tpu.memory_space<vmem>>) offsets(%dma_start3A_11 : memref<1024xi32, #tpu.memory_space<vmem>>) semaphore(%arg16 : memref<!tpu.dma_semaphore, #tpu.memory_space<semaphore_mem>>)
    %dma_start3A_14 = arith.constant 1024 : i32
    %dma_start3A_15 = tpu.memref_slice %arg10[%dma_start3A_14] : memref<13312xf32, #tpu.memory_space<vmem>> -> memref<1024xf32, #tpu.memory_space<vmem>>
    %dma_start3A_16 = arith.constant 1024 : i32
    %dma_start3A_17 = tpu.memref_slice %arg9[%dma_start3A_16] : memref<13312xi32, #tpu.memory_space<vmem>> -> memref<1024xi32, #tpu.memory_space<vmem>>
    %dma_start3A_18 = arith.constant 0 : i32
    %dma_start3A_19 = tpu.memref_slice %arg3[%dma_start3A_18] : memref<2600000xf32, #tpu.memory_space<hbm>> -> memref<2600000xf32, #tpu.memory_space<hbm>>
    tpu.enqueue_indirect_dma source(%dma_start3A_19 : memref<2600000xf32, #tpu.memory_space<hbm>>) target(%dma_start3A_15 : memref<1024xf32, #tpu.memory_space<vmem>>) offsets(%dma_start3A_17 : memref<1024xi32, #tpu.memory_space<vmem>>) semaphore(%arg16 : memref<!tpu.dma_semaphore, #tpu.memory_space<semaphore_mem>>)
    %dma_start3A_20 = arith.constant 1024 : i32
    %dma_start3A_21 = tpu.memref_slice %arg11[%dma_start3A_20] : memref<13312xf32, #tpu.memory_space<vmem>> -> memref<1024xf32, #tpu.memory_space<vmem>>
    %dma_start3A_22 = arith.constant 1024 : i32
    %dma_start3A_23 = tpu.memref_slice %arg9[%dma_start3A_22] : memref<13312xi32, #tpu.memory_space<vmem>> -> memref<1024xi32, #tpu.memory_space<vmem>>
    %dma_start3A_24 = arith.constant 0 : i32
    %dma_start3A_25 = tpu.memref_slice %arg4[%dma_start3A_24] : memref<2600000xf32, #tpu.memory_space<hbm>> -> memref<2600000xf32, #tpu.memory_space<hbm>>
    tpu.enqueue_indirect_dma source(%dma_start3A_25 : memref<2600000xf32, #tpu.memory_space<hbm>>) target(%dma_start3A_21 : memref<1024xf32, #tpu.memory_space<vmem>>) offsets(%dma_start3A_23 : memref<1024xi32, #tpu.memory_space<vmem>>) semaphore(%arg16 : memref<!tpu.dma_semaphore, #tpu.memory_space<semaphore_mem>>)
    %dma_start3A_26 = arith.constant 2048 : i32
    %dma_start3A_27 = tpu.memref_slice %arg10[%dma_start3A_26] : memref<13312xf32, #tpu.memory_space<vmem>> -> memref<1024xf32, #tpu.memory_space<vmem>>
    %dma_start3A_28 = arith.constant 2048 : i32
    %dma_start3A_29 = tpu.memref_slice %arg9[%dma_start3A_28] : memref<13312xi32, #tpu.memory_space<vmem>> -> memref<1024xi32, #tpu.memory_space<vmem>>
    %dma_start3A_30 = arith.constant 0 : i32
    %dma_start3A_31 = tpu.memref_slice %arg3[%dma_start3A_30] : memref<2600000xf32, #tpu.memory_space<hbm>> -> memref<2600000xf32, #tpu.memory_space<hbm>>
    tpu.enqueue_indirect_dma source(%dma_start3A_31 : memref<2600000xf32, #tpu.memory_space<hbm>>) target(%dma_start3A_27 : memref<1024xf32, #tpu.memory_space<vmem>>) offsets(%dma_start3A_29 : memref<1024xi32, #tpu.memory_space<vmem>>) semaphore(%arg16 : memref<!tpu.dma_semaphore, #tpu.memory_space<semaphore_mem>>)
    %dma_start3A_32 = arith.constant 2048 : i32
    %dma_start3A_33 = tpu.memref_slice %arg11[%dma_start3A_32] : memref<13312xf32, #tpu.memory_space<vmem>> -> memref<1024xf32, #tpu.memory_space<vmem>>
    %dma_start3A_34 = arith.constant 2048 : i32
    %dma_start3A_35 = tpu.memref_slice %arg9[%dma_start3A_34] : memref<13312xi32, #tpu.memory_space<vmem>> -> memref<1024xi32, #tpu.memory_space<vmem>>
    %dma_start3A_36 = arith.constant 0 : i32
    %dma_start3A_37 = tpu.memref_slice %arg4[%dma_start3A_36] : memref<2600000xf32, #tpu.memory_space<hbm>> -> memref<2600000xf32, #tpu.memory_space<hbm>>
    tpu.enqueue_indirect_dma source(%dma_start3A_37 : memref<2600000xf32, #tpu.memory_space<hbm>>) target(%dma_start3A_33 : memref<1024xf32, #tpu.memory_space<vmem>>) offsets(%dma_start3A_35 : memref<1024xi32, #tpu.memory_space<vmem>>) semaphore(%arg16 : memref<!tpu.dma_semaphore, #tpu.memory_space<semaphore_mem>>)
    %dma_start3A_38 = arith.constant 3072 : i32
    %dma_start3A_39 = tpu.memref_slice %arg10[%dma_start3A_38] : memref<13312xf32, #tpu.memory_space<vmem>> -> memref<1024xf32, #tpu.memory_space<vmem>>
    %dma_start3A_40 = arith.constant 3072 : i32
    %dma_start3A_41 = tpu.memref_slice %arg9[%dma_start3A_40] : memref<13312xi32, #tpu.memory_space<vmem>> -> memref<1024xi32, #tpu.memory_space<vmem>>
    %dma_start3A_42 = arith.constant 0 : i32
    %dma_start3A_43 = tpu.memref_slice %arg3[%dma_start3A_42] : memref<2600000xf32, #tpu.memory_space<hbm>> -> memref<2600000xf32, #tpu.memory_space<hbm>>
    tpu.enqueue_indirect_dma source(%dma_start3A_43 : memref<2600000xf32, #tpu.memory_space<hbm>>) target(%dma_start3A_39 : memref<1024xf32, #tpu.memory_space<vmem>>) offsets(%dma_start3A_41 : memref<1024xi32, #tpu.memory_space<vmem>>) semaphore(%arg16 : memref<!tpu.dma_semaphore, #tpu.memory_space<semaphore_mem>>)
    %dma_start3A_44 = arith.constant 3072 : i32
    %dma_start3A_45 = tpu.memref_slice %arg11[%dma_start3A_44] : memref<13312xf32, #tpu.memory_space<vmem>> -> memref<1024xf32, #tpu.memory_space<vmem>>
    %dma_start3A_46 = arith.constant 3072 : i32
    %dma_start3A_47 = tpu.memref_slice %arg9[%dma_start3A_46] : memref<13312xi32, #tpu.memory_space<vmem>> -> memref<1024xi32, #tpu.memory_space<vmem>>
    %dma_start3A_48 = arith.constant 0 : i32
    %dma_start3A_49 = tpu.memref_slice %arg4[%dma_start3A_48] : memref<2600000xf32, #tpu.memory_space<hbm>> -> memref<2600000xf32, #tpu.memory_space<hbm>>
    tpu.enqueue_indirect_dma source(%dma_start3A_49 : memref<2600000xf32, #tpu.memory_space<hbm>>) target(%dma_start3A_45 : memref<1024xf32, #tpu.memory_space<vmem>>) offsets(%dma_start3A_47 : memref<1024xi32, #tpu.memory_space<vmem>>) semaphore(%arg16 : memref<!tpu.dma_semaphore, #tpu.memory_space<semaphore_mem>>)
    %dma_start3A_50 = arith.constant 4096 : i32
    %dma_start3A_51 = tpu.memref_slice %arg10[%dma_start3A_50] : memref<13312xf32, #tpu.memory_space<vmem>> -> memref<1024xf32, #tpu.memory_space<vmem>>
    %dma_start3A_52 = arith.constant 4096 : i32
    %dma_start3A_53 = tpu.memref_slice %arg9[%dma_start3A_52] : memref<13312xi32, #tpu.memory_space<vmem>> -> memref<1024xi32, #tpu.memory_space<vmem>>
    %dma_start3A_54 = arith.constant 0 : i32
    %dma_start3A_55 = tpu.memref_slice %arg3[%dma_start3A_54] : memref<2600000xf32, #tpu.memory_space<hbm>> -> memref<2600000xf32, #tpu.memory_space<hbm>>
    tpu.enqueue_indirect_dma source(%dma_start3A_55 : memref<2600000xf32, #tpu.memory_space<hbm>>) target(%dma_start3A_51 : memref<1024xf32, #tpu.memory_space<vmem>>) offsets(%dma_start3A_53 : memref<1024xi32, #tpu.memory_space<vmem>>) semaphore(%arg16 : memref<!tpu.dma_semaphore, #tpu.memory_space<semaphore_mem>>)
    %dma_start3A_56 = arith.constant 4096 : i32
    %dma_start3A_57 = tpu.memref_slice %arg11[%dma_start3A_56] : memref<13312xf32, #tpu.memory_space<vmem>> -> memref<1024xf32, #tpu.memory_space<vmem>>
    %dma_start3A_58 = arith.constant 4096 : i32
    %dma_start3A_59 = tpu.memref_slice %arg9[%dma_start3A_58] : memref<13312xi32, #tpu.memory_space<vmem>> -> memref<1024xi32, #tpu.memory_space<vmem>>
    %dma_start3A_60 = arith.constant 0 : i32
    %dma_start3A_61 = tpu.memref_slice %arg4[%dma_start3A_60] : memref<2600000xf32, #tpu.memory_space<hbm>> -> memref<2600000xf32, #tpu.memory_space<hbm>>
    tpu.enqueue_indirect_dma source(%dma_start3A_61 : memref<2600000xf32, #tpu.memory_space<hbm>>) target(%dma_start3A_57 : memref<1024xf32, #tpu.memory_space<vmem>>) offsets(%dma_start3A_59 : memref<1024xi32, #tpu.memory_space<vmem>>) semaphore(%arg16 : memref<!tpu.dma_semaphore, #tpu.memory_space<semaphore_mem>>)
    %dma_start3A_62 = arith.constant 5120 : i32
    %dma_start3A_63 = tpu.memref_slice %arg10[%dma_start3A_62] : memref<13312xf32, #tpu.memory_space<vmem>> -> memref<1024xf32, #tpu.memory_space<vmem>>
    %dma_start3A_64 = arith.constant 5120 : i32
    %dma_start3A_65 = tpu.memref_slice %arg9[%dma_start3A_64] : memref<13312xi32, #tpu.memory_space<vmem>> -> memref<1024xi32, #tpu.memory_space<vmem>>
    %dma_start3A_66 = arith.constant 0 : i32
    %dma_start3A_67 = tpu.memref_slice %arg3[%dma_start3A_66] : memref<2600000xf32, #tpu.memory_space<hbm>> -> memref<2600000xf32, #tpu.memory_space<hbm>>
    tpu.enqueue_indirect_dma source(%dma_start3A_67 : memref<2600000xf32, #tpu.memory_space<hbm>>) target(%dma_start3A_63 : memref<1024xf32, #tpu.memory_space<vmem>>) offsets(%dma_start3A_65 : memref<1024xi32, #tpu.memory_space<vmem>>) semaphore(%arg16 : memref<!tpu.dma_semaphore, #tpu.memory_space<semaphore_mem>>)
    %dma_start3A_68 = arith.constant 5120 : i32
    %dma_start3A_69 = tpu.memref_slice %arg11[%dma_start3A_68] : memref<13312xf32, #tpu.memory_space<vmem>> -> memref<1024xf32, #tpu.memory_space<vmem>>
    %dma_start3A_70 = arith.constant 5120 : i32
    %dma_start3A_71 = tpu.memref_slice %arg9[%dma_start3A_70] : memref<13312xi32, #tpu.memory_space<vmem>> -> memref<1024xi32, #tpu.memory_space<vmem>>
    %dma_start3A_72 = arith.constant 0 : i32
    %dma_start3A_73 = tpu.memref_slice %arg4[%dma_start3A_72] : memref<2600000xf32, #tpu.memory_space<hbm>> -> memref<2600000xf32, #tpu.memory_space<hbm>>
    tpu.enqueue_indirect_dma source(%dma_start3A_73 : memref<2600000xf32, #tpu.memory_space<hbm>>) target(%dma_start3A_69 : memref<1024xf32, #tpu.memory_space<vmem>>) offsets(%dma_start3A_71 : memref<1024xi32, #tpu.memory_space<vmem>>) semaphore(%arg16 : memref<!tpu.dma_semaphore, #tpu.memory_space<semaphore_mem>>)
    %dma_start3A_74 = arith.constant 6144 : i32
    %dma_start3A_75 = tpu.memref_slice %arg10[%dma_start3A_74] : memref<13312xf32, #tpu.memory_space<vmem>> -> memref<1024xf32, #tpu.memory_space<vmem>>
    %dma_start3A_76 = arith.constant 6144 : i32
    %dma_start3A_77 = tpu.memref_slice %arg9[%dma_start3A_76] : memref<13312xi32, #tpu.memory_space<vmem>> -> memref<1024xi32, #tpu.memory_space<vmem>>
    %dma_start3A_78 = arith.constant 0 : i32
    %dma_start3A_79 = tpu.memref_slice %arg3[%dma_start3A_78] : memref<2600000xf32, #tpu.memory_space<hbm>> -> memref<2600000xf32, #tpu.memory_space<hbm>>
    tpu.enqueue_indirect_dma source(%dma_start3A_79 : memref<2600000xf32, #tpu.memory_space<hbm>>) target(%dma_start3A_75 : memref<1024xf32, #tpu.memory_space<vmem>>) offsets(%dma_start3A_77 : memref<1024xi32, #tpu.memory_space<vmem>>) semaphore(%arg16 : memref<!tpu.dma_semaphore, #tpu.memory_space<semaphore_mem>>)
    %dma_start3A_80 = arith.constant 6144 : i32
    %dma_start3A_81 = tpu.memref_slice %arg11[%dma_start3A_80] : memref<13312xf32, #tpu.memory_space<vmem>> -> memref<1024xf32, #tpu.memory_space<vmem>>
    %dma_start3A_82 = arith.constant 6144 : i32
    %dma_start3A_83 = tpu.memref_slice %arg9[%dma_start3A_82] : memref<13312xi32, #tpu.memory_space<vmem>> -> memref<1024xi32, #tpu.memory_space<vmem>>
    %dma_start3A_84 = arith.constant 0 : i32
    %dma_start3A_85 = tpu.memref_slice %arg4[%dma_start3A_84] : memref<2600000xf32, #tpu.memory_space<hbm>> -> memref<2600000xf32, #tpu.memory_space<hbm>>
    tpu.enqueue_indirect_dma source(%dma_start3A_85 : memref<2600000xf32, #tpu.memory_space<hbm>>) target(%dma_start3A_81 : memref<1024xf32, #tpu.memory_space<vmem>>) offsets(%dma_start3A_83 : memref<1024xi32, #tpu.memory_space<vmem>>) semaphore(%arg16 : memref<!tpu.dma_semaphore, #tpu.memory_space<semaphore_mem>>)
    %dma_start3A_86 = arith.constant 7168 : i32
    %dma_start3A_87 = tpu.memref_slice %arg10[%dma_start3A_86] : memref<13312xf32, #tpu.memory_space<vmem>> -> memref<1024xf32, #tpu.memory_space<vmem>>
    %dma_start3A_88 = arith.constant 7168 : i32
    %dma_start3A_89 = tpu.memref_slice %arg9[%dma_start3A_88] : memref<13312xi32, #tpu.memory_space<vmem>> -> memref<1024xi32, #tpu.memory_space<vmem>>
    %dma_start3A_90 = arith.constant 0 : i32
    %dma_start3A_91 = tpu.memref_slice %arg3[%dma_start3A_90] : memref<2600000xf32, #tpu.memory_space<hbm>> -> memref<2600000xf32, #tpu.memory_space<hbm>>
    tpu.enqueue_indirect_dma source(%dma_start3A_91 : memref<2600000xf32, #tpu.memory_space<hbm>>) target(%dma_start3A_87 : memref<1024xf32, #tpu.memory_space<vmem>>) offsets(%dma_start3A_89 : memref<1024xi32, #tpu.memory_space<vmem>>) semaphore(%arg16 : memref<!tpu.dma_semaphore, #tpu.memory_space<semaphore_mem>>)
    %dma_start3A_92 = arith.constant 7168 : i32
    %dma_start3A_93 = tpu.memref_slice %arg11[%dma_start3A_92] : memref<13312xf32, #tpu.memory_space<vmem>> -> memref<1024xf32, #tpu.memory_space<vmem>>
    %dma_start3A_94 = arith.constant 7168 : i32
    %dma_start3A_95 = tpu.memref_slice %arg9[%dma_start3A_94] : memref<13312xi32, #tpu.memory_space<vmem>> -> memref<1024xi32, #tpu.memory_space<vmem>>
    %dma_start3A_96 = arith.constant 0 : i32
    %dma_start3A_97 = tpu.memref_slice %arg4[%dma_start3A_96] : memref<2600000xf32, #tpu.memory_space<hbm>> -> memref<2600000xf32, #tpu.memory_space<hbm>>
    tpu.enqueue_indirect_dma source(%dma_start3A_97 : memref<2600000xf32, #tpu.memory_space<hbm>>) target(%dma_start3A_93 : memref<1024xf32, #tpu.memory_space<vmem>>) offsets(%dma_start3A_95 : memref<1024xi32, #tpu.memory_space<vmem>>) semaphore(%arg16 : memref<!tpu.dma_semaphore, #tpu.memory_space<semaphore_mem>>)
    %dma_start3A_98 = arith.constant 8192 : i32
    %dma_start3A_99 = tpu.memref_slice %arg10[%dma_start3A_98] : memref<13312xf32, #tpu.memory_space<vmem>> -> memref<1024xf32, #tpu.memory_space<vmem>>
    %dma_start3A_100 = arith.constant 8192 : i32
    %dma_start3A_101 = tpu.memref_slice %arg9[%dma_start3A_100] : memref<13312xi32, #tpu.memory_space<vmem>> -> memref<1024xi32, #tpu.memory_space<vmem>>
    %dma_start3A_102 = arith.constant 0 : i32
    %dma_start3A_103 = tpu.memref_slice %arg3[%dma_start3A_102] : memref<2600000xf32, #tpu.memory_space<hbm>> -> memref<2600000xf32, #tpu.memory_space<hbm>>
    tpu.enqueue_indirect_dma source(%dma_start3A_103 : memref<2600000xf32, #tpu.memory_space<hbm>>) target(%dma_start3A_99 : memref<1024xf32, #tpu.memory_space<vmem>>) offsets(%dma_start3A_101 : memref<1024xi32, #tpu.memory_space<vmem>>) semaphore(%arg16 : memref<!tpu.dma_semaphore, #tpu.memory_space<semaphore_mem>>)
    %dma_start3A_104 = arith.constant 8192 : i32
    %dma_start3A_105 = tpu.memref_slice %arg11[%dma_start3A_104] : memref<13312xf32, #tpu.memory_space<vmem>> -> memref<1024xf32, #tpu.memory_space<vmem>>
    %dma_start3A_106 = arith.constant 8192 : i32
    %dma_start3A_107 = tpu.memref_slice %arg9[%dma_start3A_106] : memref<13312xi32, #tpu.memory_space<vmem>> -> memref<1024xi32, #tpu.memory_space<vmem>>
    %dma_start3A_108 = arith.constant 0 : i32
    %dma_start3A_109 = tpu.memref_slice %arg4[%dma_start3A_108] : memref<2600000xf32, #tpu.memory_space<hbm>> -> memref<2600000xf32, #tpu.memory_space<hbm>>
    tpu.enqueue_indirect_dma source(%dma_start3A_109 : memref<2600000xf32, #tpu.memory_space<hbm>>) target(%dma_start3A_105 : memref<1024xf32, #tpu.memory_space<vmem>>) offsets(%dma_start3A_107 : memref<1024xi32, #tpu.memory_space<vmem>>) semaphore(%arg16 : memref<!tpu.dma_semaphore, #tpu.memory_space<semaphore_mem>>)
    %dma_start3A_110 = arith.constant 9216 : i32
    %dma_start3A_111 = tpu.memref_slice %arg10[%dma_start3A_110] : memref<13312xf32, #tpu.memory_space<vmem>> -> memref<1024xf32, #tpu.memory_space<vmem>>
    %dma_start3A_112 = arith.constant 9216 : i32
    %dma_start3A_113 = tpu.memref_slice %arg9[%dma_start3A_112] : memref<13312xi32, #tpu.memory_space<vmem>> -> memref<1024xi32, #tpu.memory_space<vmem>>
    %dma_start3A_114 = arith.constant 0 : i32
    %dma_start3A_115 = tpu.memref_slice %arg3[%dma_start3A_114] : memref<2600000xf32, #tpu.memory_space<hbm>> -> memref<2600000xf32, #tpu.memory_space<hbm>>
    tpu.enqueue_indirect_dma source(%dma_start3A_115 : memref<2600000xf32, #tpu.memory_space<hbm>>) target(%dma_start3A_111 : memref<1024xf32, #tpu.memory_space<vmem>>) offsets(%dma_start3A_113 : memref<1024xi32, #tpu.memory_space<vmem>>) semaphore(%arg16 : memref<!tpu.dma_semaphore, #tpu.memory_space<semaphore_mem>>)
    %dma_start3A_116 = arith.constant 9216 : i32
    %dma_start3A_117 = tpu.memref_slice %arg11[%dma_start3A_116] : memref<13312xf32, #tpu.memory_space<vmem>> -> memref<1024xf32, #tpu.memory_space<vmem>>
    %dma_start3A_118 = arith.constant 9216 : i32
    %dma_start3A_119 = tpu.memref_slice %arg9[%dma_start3A_118] : memref<13312xi32, #tpu.memory_space<vmem>> -> memref<1024xi32, #tpu.memory_space<vmem>>
    %dma_start3A_120 = arith.constant 0 : i32
    %dma_start3A_121 = tpu.memref_slice %arg4[%dma_start3A_120] : memref<2600000xf32, #tpu.memory_space<hbm>> -> memref<2600000xf32, #tpu.memory_space<hbm>>
    tpu.enqueue_indirect_dma source(%dma_start3A_121 : memref<2600000xf32, #tpu.memory_space<hbm>>) target(%dma_start3A_117 : memref<1024xf32, #tpu.memory_space<vmem>>) offsets(%dma_start3A_119 : memref<1024xi32, #tpu.memory_space<vmem>>) semaphore(%arg16 : memref<!tpu.dma_semaphore, #tpu.memory_space<semaphore_mem>>)
    %dma_start3A_122 = arith.constant 10240 : i32
    %dma_start3A_123 = tpu.memref_slice %arg10[%dma_start3A_122] : memref<13312xf32, #tpu.memory_space<vmem>> -> memref<1024xf32, #tpu.memory_space<vmem>>
    %dma_start3A_124 = arith.constant 10240 : i32
    %dma_start3A_125 = tpu.memref_slice %arg9[%dma_start3A_124] : memref<13312xi32, #tpu.memory_space<vmem>> -> memref<1024xi32, #tpu.memory_space<vmem>>
    %dma_start3A_126 = arith.constant 0 : i32
    %dma_start3A_127 = tpu.memref_slice %arg3[%dma_start3A_126] : memref<2600000xf32, #tpu.memory_space<hbm>> -> memref<2600000xf32, #tpu.memory_space<hbm>>
    tpu.enqueue_indirect_dma source(%dma_start3A_127 : memref<2600000xf32, #tpu.memory_space<hbm>>) target(%dma_start3A_123 : memref<1024xf32, #tpu.memory_space<vmem>>) offsets(%dma_start3A_125 : memref<1024xi32, #tpu.memory_space<vmem>>) semaphore(%arg16 : memref<!tpu.dma_semaphore, #tpu.memory_space<semaphore_mem>>)
    %dma_start3A_128 = arith.constant 10240 : i32
    %dma_start3A_129 = tpu.memref_slice %arg11[%dma_start3A_128] : memref<13312xf32, #tpu.memory_space<vmem>> -> memref<1024xf32, #tpu.memory_space<vmem>>
    %dma_start3A_130 = arith.constant 10240 : i32
    %dma_start3A_131 = tpu.memref_slice %arg9[%dma_start3A_130] : memref<13312xi32, #tpu.memory_space<vmem>> -> memref<1024xi32, #tpu.memory_space<vmem>>
    %dma_start3A_132 = arith.constant 0 : i32
    %dma_start3A_133 = tpu.memref_slice %arg4[%dma_start3A_132] : memref<2600000xf32, #tpu.memory_space<hbm>> -> memref<2600000xf32, #tpu.memory_space<hbm>>
    tpu.enqueue_indirect_dma source(%dma_start3A_133 : memref<2600000xf32, #tpu.memory_space<hbm>>) target(%dma_start3A_129 : memref<1024xf32, #tpu.memory_space<vmem>>) offsets(%dma_start3A_131 : memref<1024xi32, #tpu.memory_space<vmem>>) semaphore(%arg16 : memref<!tpu.dma_semaphore, #tpu.memory_space<semaphore_mem>>)
    %dma_start3A_134 = arith.constant 11264 : i32
    %dma_start3A_135 = tpu.memref_slice %arg10[%dma_start3A_134] : memref<13312xf32, #tpu.memory_space<vmem>> -> memref<1024xf32, #tpu.memory_space<vmem>>
    %dma_start3A_136 = arith.constant 11264 : i32
    %dma_start3A_137 = tpu.memref_slice %arg9[%dma_start3A_136] : memref<13312xi32, #tpu.memory_space<vmem>> -> memref<1024xi32, #tpu.memory_space<vmem>>
    %dma_start3A_138 = arith.constant 0 : i32
    %dma_start3A_139 = tpu.memref_slice %arg3[%dma_start3A_138] : memref<2600000xf32, #tpu.memory_space<hbm>> -> memref<2600000xf32, #tpu.memory_space<hbm>>
    tpu.enqueue_indirect_dma source(%dma_start3A_139 : memref<2600000xf32, #tpu.memory_space<hbm>>) target(%dma_start3A_135 : memref<1024xf32, #tpu.memory_space<vmem>>) offsets(%dma_start3A_137 : memref<1024xi32, #tpu.memory_space<vmem>>) semaphore(%arg16 : memref<!tpu.dma_semaphore, #tpu.memory_space<semaphore_mem>>)
    %dma_start3A_140 = arith.constant 11264 : i32
    %dma_start3A_141 = tpu.memref_slice %arg11[%dma_start3A_140] : memref<13312xf32, #tpu.memory_space<vmem>> -> memref<1024xf32, #tpu.memory_space<vmem>>
    %dma_start3A_142 = arith.constant 11264 : i32
    %dma_start3A_143 = tpu.memref_slice %arg9[%dma_start3A_142] : memref<13312xi32, #tpu.memory_space<vmem>> -> memref<1024xi32, #tpu.memory_space<vmem>>
    %dma_start3A_144 = arith.constant 0 : i32
    %dma_start3A_145 = tpu.memref_slice %arg4[%dma_start3A_144] : memref<2600000xf32, #tpu.memory_space<hbm>> -> memref<2600000xf32, #tpu.memory_space<hbm>>
    tpu.enqueue_indirect_dma source(%dma_start3A_145 : memref<2600000xf32, #tpu.memory_space<hbm>>) target(%dma_start3A_141 : memref<1024xf32, #tpu.memory_space<vmem>>) offsets(%dma_start3A_143 : memref<1024xi32, #tpu.memory_space<vmem>>) semaphore(%arg16 : memref<!tpu.dma_semaphore, #tpu.memory_space<semaphore_mem>>)
    %dma_start3A_146 = arith.constant 12288 : i32
    %dma_start3A_147 = tpu.memref_slice %arg10[%dma_start3A_146] : memref<13312xf32, #tpu.memory_space<vmem>> -> memref<1024xf32, #tpu.memory_space<vmem>>
    %dma_start3A_148 = arith.constant 12288 : i32
    %dma_start3A_149 = tpu.memref_slice %arg9[%dma_start3A_148] : memref<13312xi32, #tpu.memory_space<vmem>> -> memref<1024xi32, #tpu.memory_space<vmem>>
    %dma_start3A_150 = arith.constant 0 : i32
    %dma_start3A_151 = tpu.memref_slice %arg3[%dma_start3A_150] : memref<2600000xf32, #tpu.memory_space<hbm>> -> memref<2600000xf32, #tpu.memory_space<hbm>>
    tpu.enqueue_indirect_dma source(%dma_start3A_151 : memref<2600000xf32, #tpu.memory_space<hbm>>) target(%dma_start3A_147 : memref<1024xf32, #tpu.memory_space<vmem>>) offsets(%dma_start3A_149 : memref<1024xi32, #tpu.memory_space<vmem>>) semaphore(%arg16 : memref<!tpu.dma_semaphore, #tpu.memory_space<semaphore_mem>>)
    %dma_start3A_152 = arith.constant 12288 : i32
    %dma_start3A_153 = tpu.memref_slice %arg11[%dma_start3A_152] : memref<13312xf32, #tpu.memory_space<vmem>> -> memref<1024xf32, #tpu.memory_space<vmem>>
    %dma_start3A_154 = arith.constant 12288 : i32
    %dma_start3A_155 = tpu.memref_slice %arg9[%dma_start3A_154] : memref<13312xi32, #tpu.memory_space<vmem>> -> memref<1024xi32, #tpu.memory_space<vmem>>
    %dma_start3A_156 = arith.constant 0 : i32
    %dma_start3A_157 = tpu.memref_slice %arg4[%dma_start3A_156] : memref<2600000xf32, #tpu.memory_space<hbm>> -> memref<2600000xf32, #tpu.memory_space<hbm>>
    tpu.enqueue_indirect_dma source(%dma_start3A_157 : memref<2600000xf32, #tpu.memory_space<hbm>>) target(%dma_start3A_153 : memref<1024xf32, #tpu.memory_space<vmem>>) offsets(%dma_start3A_155 : memref<1024xi32, #tpu.memory_space<vmem>>) semaphore(%arg16 : memref<!tpu.dma_semaphore, #tpu.memory_space<semaphore_mem>>)
    %dma_wait3A = arith.constant 0 : i32
    %dma_wait3A_158 = tpu.memref_slice %arg10[%dma_wait3A] : memref<13312xf32, #tpu.memory_space<vmem>> -> memref<1024xf32, #tpu.memory_space<vmem>>
    %dma_wait3A_159 = arith.constant 0 : i32
    %dma_wait3A_160 = tpu.memref_slice %arg9[%dma_wait3A_159] : memref<13312xi32, #tpu.memory_space<vmem>> -> memref<1024xi32, #tpu.memory_space<vmem>>
    %dma_wait3A_161 = arith.constant 0 : i32
    %dma_wait3A_162 = tpu.memref_slice %arg3[%dma_wait3A_161] : memref<2600000xf32, #tpu.memory_space<hbm>> -> memref<2600000xf32, #tpu.memory_space<hbm>>
    tpu.wait_indirect_dma semaphore(%arg16 : memref<!tpu.dma_semaphore, #tpu.memory_space<semaphore_mem>>) src(%dma_wait3A_162 : memref<2600000xf32, #tpu.memory_space<hbm>>) dst(%dma_wait3A_158 : memref<1024xf32, #tpu.memory_space<vmem>>)
    %dma_wait3A_163 = arith.constant 0 : i32
    %dma_wait3A_164 = tpu.memref_slice %arg11[%dma_wait3A_163] : memref<13312xf32, #tpu.memory_space<vmem>> -> memref<1024xf32, #tpu.memory_space<vmem>>
    %dma_wait3A_165 = arith.constant 0 : i32
    %dma_wait3A_166 = tpu.memref_slice %arg9[%dma_wait3A_165] : memref<13312xi32, #tpu.memory_space<vmem>> -> memref<1024xi32, #tpu.memory_space<vmem>>
    %dma_wait3A_167 = arith.constant 0 : i32
    %dma_wait3A_168 = tpu.memref_slice %arg4[%dma_wait3A_167] : memref<2600000xf32, #tpu.memory_space<hbm>> -> memref<2600000xf32, #tpu.memory_space<hbm>>
    tpu.wait_indirect_dma semaphore(%arg16 : memref<!tpu.dma_semaphore, #tpu.memory_space<semaphore_mem>>) src(%dma_wait3A_168 : memref<2600000xf32, #tpu.memory_space<hbm>>) dst(%dma_wait3A_164 : memref<1024xf32, #tpu.memory_space<vmem>>)
    %dma_wait3A_169 = arith.constant 1024 : i32
    %dma_wait3A_170 = tpu.memref_slice %arg10[%dma_wait3A_169] : memref<13312xf32, #tpu.memory_space<vmem>> -> memref<1024xf32, #tpu.memory_space<vmem>>
    %dma_wait3A_171 = arith.constant 1024 : i32
    %dma_wait3A_172 = tpu.memref_slice %arg9[%dma_wait3A_171] : memref<13312xi32, #tpu.memory_space<vmem>> -> memref<1024xi32, #tpu.memory_space<vmem>>
    %dma_wait3A_173 = arith.constant 0 : i32
    %dma_wait3A_174 = tpu.memref_slice %arg3[%dma_wait3A_173] : memref<2600000xf32, #tpu.memory_space<hbm>> -> memref<2600000xf32, #tpu.memory_space<hbm>>
    tpu.wait_indirect_dma semaphore(%arg16 : memref<!tpu.dma_semaphore, #tpu.memory_space<semaphore_mem>>) src(%dma_wait3A_174 : memref<2600000xf32, #tpu.memory_space<hbm>>) dst(%dma_wait3A_170 : memref<1024xf32, #tpu.memory_space<vmem>>)
    %dma_wait3A_175 = arith.constant 1024 : i32
    %dma_wait3A_176 = tpu.memref_slice %arg11[%dma_wait3A_175] : memref<13312xf32, #tpu.memory_space<vmem>> -> memref<1024xf32, #tpu.memory_space<vmem>>
    %dma_wait3A_177 = arith.constant 1024 : i32
    %dma_wait3A_178 = tpu.memref_slice %arg9[%dma_wait3A_177] : memref<13312xi32, #tpu.memory_space<vmem>> -> memref<1024xi32, #tpu.memory_space<vmem>>
    %dma_wait3A_179 = arith.constant 0 : i32
    %dma_wait3A_180 = tpu.memref_slice %arg4[%dma_wait3A_179] : memref<2600000xf32, #tpu.memory_space<hbm>> -> memref<2600000xf32, #tpu.memory_space<hbm>>
    tpu.wait_indirect_dma semaphore(%arg16 : memref<!tpu.dma_semaphore, #tpu.memory_space<semaphore_mem>>) src(%dma_wait3A_180 : memref<2600000xf32, #tpu.memory_space<hbm>>) dst(%dma_wait3A_176 : memref<1024xf32, #tpu.memory_space<vmem>>)
    %dma_wait3A_181 = arith.constant 2048 : i32
    %dma_wait3A_182 = tpu.memref_slice %arg10[%dma_wait3A_181] : memref<13312xf32, #tpu.memory_space<vmem>> -> memref<1024xf32, #tpu.memory_space<vmem>>
    %dma_wait3A_183 = arith.constant 2048 : i32
    %dma_wait3A_184 = tpu.memref_slice %arg9[%dma_wait3A_183] : memref<13312xi32, #tpu.memory_space<vmem>> -> memref<1024xi32, #tpu.memory_space<vmem>>
    %dma_wait3A_185 = arith.constant 0 : i32
    %dma_wait3A_186 = tpu.memref_slice %arg3[%dma_wait3A_185] : memref<2600000xf32, #tpu.memory_space<hbm>> -> memref<2600000xf32, #tpu.memory_space<hbm>>
    tpu.wait_indirect_dma semaphore(%arg16 : memref<!tpu.dma_semaphore, #tpu.memory_space<semaphore_mem>>) src(%dma_wait3A_186 : memref<2600000xf32, #tpu.memory_space<hbm>>) dst(%dma_wait3A_182 : memref<1024xf32, #tpu.memory_space<vmem>>)
    %dma_wait3A_187 = arith.constant 2048 : i32
    %dma_wait3A_188 = tpu.memref_slice %arg11[%dma_wait3A_187] : memref<13312xf32, #tpu.memory_space<vmem>> -> memref<1024xf32, #tpu.memory_space<vmem>>
    %dma_wait3A_189 = arith.constant 2048 : i32
    %dma_wait3A_190 = tpu.memref_slice %arg9[%dma_wait3A_189] : memref<13312xi32, #tpu.memory_space<vmem>> -> memref<1024xi32, #tpu.memory_space<vmem>>
    %dma_wait3A_191 = arith.constant 0 : i32
    %dma_wait3A_192 = tpu.memref_slice %arg4[%dma_wait3A_191] : memref<2600000xf32, #tpu.memory_space<hbm>> -> memref<2600000xf32, #tpu.memory_space<hbm>>
    tpu.wait_indirect_dma semaphore(%arg16 : memref<!tpu.dma_semaphore, #tpu.memory_space<semaphore_mem>>) src(%dma_wait3A_192 : memref<2600000xf32, #tpu.memory_space<hbm>>) dst(%dma_wait3A_188 : memref<1024xf32, #tpu.memory_space<vmem>>)
    %dma_wait3A_193 = arith.constant 3072 : i32
    %dma_wait3A_194 = tpu.memref_slice %arg10[%dma_wait3A_193] : memref<13312xf32, #tpu.memory_space<vmem>> -> memref<1024xf32, #tpu.memory_space<vmem>>
    %dma_wait3A_195 = arith.constant 3072 : i32
    %dma_wait3A_196 = tpu.memref_slice %arg9[%dma_wait3A_195] : memref<13312xi32, #tpu.memory_space<vmem>> -> memref<1024xi32, #tpu.memory_space<vmem>>
    %dma_wait3A_197 = arith.constant 0 : i32
    %dma_wait3A_198 = tpu.memref_slice %arg3[%dma_wait3A_197] : memref<2600000xf32, #tpu.memory_space<hbm>> -> memref<2600000xf32, #tpu.memory_space<hbm>>
    tpu.wait_indirect_dma semaphore(%arg16 : memref<!tpu.dma_semaphore, #tpu.memory_space<semaphore_mem>>) src(%dma_wait3A_198 : memref<2600000xf32, #tpu.memory_space<hbm>>) dst(%dma_wait3A_194 : memref<1024xf32, #tpu.memory_space<vmem>>)
    %dma_wait3A_199 = arith.constant 3072 : i32
    %dma_wait3A_200 = tpu.memref_slice %arg11[%dma_wait3A_199] : memref<13312xf32, #tpu.memory_space<vmem>> -> memref<1024xf32, #tpu.memory_space<vmem>>
    %dma_wait3A_201 = arith.constant 3072 : i32
    %dma_wait3A_202 = tpu.memref_slice %arg9[%dma_wait3A_201] : memref<13312xi32, #tpu.memory_space<vmem>> -> memref<1024xi32, #tpu.memory_space<vmem>>
    %dma_wait3A_203 = arith.constant 0 : i32
    %dma_wait3A_204 = tpu.memref_slice %arg4[%dma_wait3A_203] : memref<2600000xf32, #tpu.memory_space<hbm>> -> memref<2600000xf32, #tpu.memory_space<hbm>>
    tpu.wait_indirect_dma semaphore(%arg16 : memref<!tpu.dma_semaphore, #tpu.memory_space<semaphore_mem>>) src(%dma_wait3A_204 : memref<2600000xf32, #tpu.memory_space<hbm>>) dst(%dma_wait3A_200 : memref<1024xf32, #tpu.memory_space<vmem>>)
    %dma_wait3A_205 = arith.constant 4096 : i32
    %dma_wait3A_206 = tpu.memref_slice %arg10[%dma_wait3A_205] : memref<13312xf32, #tpu.memory_space<vmem>> -> memref<1024xf32, #tpu.memory_space<vmem>>
    %dma_wait3A_207 = arith.constant 4096 : i32
    %dma_wait3A_208 = tpu.memref_slice %arg9[%dma_wait3A_207] : memref<13312xi32, #tpu.memory_space<vmem>> -> memref<1024xi32, #tpu.memory_space<vmem>>
    %dma_wait3A_209 = arith.constant 0 : i32
    %dma_wait3A_210 = tpu.memref_slice %arg3[%dma_wait3A_209] : memref<2600000xf32, #tpu.memory_space<hbm>> -> memref<2600000xf32, #tpu.memory_space<hbm>>
    tpu.wait_indirect_dma semaphore(%arg16 : memref<!tpu.dma_semaphore, #tpu.memory_space<semaphore_mem>>) src(%dma_wait3A_210 : memref<2600000xf32, #tpu.memory_space<hbm>>) dst(%dma_wait3A_206 : memref<1024xf32, #tpu.memory_space<vmem>>)
    %dma_wait3A_211 = arith.constant 4096 : i32
    %dma_wait3A_212 = tpu.memref_slice %arg11[%dma_wait3A_211] : memref<13312xf32, #tpu.memory_space<vmem>> -> memref<1024xf32, #tpu.memory_space<vmem>>
    %dma_wait3A_213 = arith.constant 4096 : i32
    %dma_wait3A_214 = tpu.memref_slice %arg9[%dma_wait3A_213] : memref<13312xi32, #tpu.memory_space<vmem>> -> memref<1024xi32, #tpu.memory_space<vmem>>
    %dma_wait3A_215 = arith.constant 0 : i32
    %dma_wait3A_216 = tpu.memref_slice %arg4[%dma_wait3A_215] : memref<2600000xf32, #tpu.memory_space<hbm>> -> memref<2600000xf32, #tpu.memory_space<hbm>>
    tpu.wait_indirect_dma semaphore(%arg16 : memref<!tpu.dma_semaphore, #tpu.memory_space<semaphore_mem>>) src(%dma_wait3A_216 : memref<2600000xf32, #tpu.memory_space<hbm>>) dst(%dma_wait3A_212 : memref<1024xf32, #tpu.memory_space<vmem>>)
    %dma_wait3A_217 = arith.constant 5120 : i32
    %dma_wait3A_218 = tpu.memref_slice %arg10[%dma_wait3A_217] : memref<13312xf32, #tpu.memory_space<vmem>> -> memref<1024xf32, #tpu.memory_space<vmem>>
    %dma_wait3A_219 = arith.constant 5120 : i32
    %dma_wait3A_220 = tpu.memref_slice %arg9[%dma_wait3A_219] : memref<13312xi32, #tpu.memory_space<vmem>> -> memref<1024xi32, #tpu.memory_space<vmem>>
    %dma_wait3A_221 = arith.constant 0 : i32
    %dma_wait3A_222 = tpu.memref_slice %arg3[%dma_wait3A_221] : memref<2600000xf32, #tpu.memory_space<hbm>> -> memref<2600000xf32, #tpu.memory_space<hbm>>
    tpu.wait_indirect_dma semaphore(%arg16 : memref<!tpu.dma_semaphore, #tpu.memory_space<semaphore_mem>>) src(%dma_wait3A_222 : memref<2600000xf32, #tpu.memory_space<hbm>>) dst(%dma_wait3A_218 : memref<1024xf32, #tpu.memory_space<vmem>>)
    %dma_wait3A_223 = arith.constant 5120 : i32
    %dma_wait3A_224 = tpu.memref_slice %arg11[%dma_wait3A_223] : memref<13312xf32, #tpu.memory_space<vmem>> -> memref<1024xf32, #tpu.memory_space<vmem>>
    %dma_wait3A_225 = arith.constant 5120 : i32
    %dma_wait3A_226 = tpu.memref_slice %arg9[%dma_wait3A_225] : memref<13312xi32, #tpu.memory_space<vmem>> -> memref<1024xi32, #tpu.memory_space<vmem>>
    %dma_wait3A_227 = arith.constant 0 : i32
    %dma_wait3A_228 = tpu.memref_slice %arg4[%dma_wait3A_227] : memref<2600000xf32, #tpu.memory_space<hbm>> -> memref<2600000xf32, #tpu.memory_space<hbm>>
    tpu.wait_indirect_dma semaphore(%arg16 : memref<!tpu.dma_semaphore, #tpu.memory_space<semaphore_mem>>) src(%dma_wait3A_228 : memref<2600000xf32, #tpu.memory_space<hbm>>) dst(%dma_wait3A_224 : memref<1024xf32, #tpu.memory_space<vmem>>)
    %dma_wait3A_229 = arith.constant 6144 : i32
    %dma_wait3A_230 = tpu.memref_slice %arg10[%dma_wait3A_229] : memref<13312xf32, #tpu.memory_space<vmem>> -> memref<1024xf32, #tpu.memory_space<vmem>>
    %dma_wait3A_231 = arith.constant 6144 : i32
    %dma_wait3A_232 = tpu.memref_slice %arg9[%dma_wait3A_231] : memref<13312xi32, #tpu.memory_space<vmem>> -> memref<1024xi32, #tpu.memory_space<vmem>>
    %dma_wait3A_233 = arith.constant 0 : i32
    %dma_wait3A_234 = tpu.memref_slice %arg3[%dma_wait3A_233] : memref<2600000xf32, #tpu.memory_space<hbm>> -> memref<2600000xf32, #tpu.memory_space<hbm>>
    tpu.wait_indirect_dma semaphore(%arg16 : memref<!tpu.dma_semaphore, #tpu.memory_space<semaphore_mem>>) src(%dma_wait3A_234 : memref<2600000xf32, #tpu.memory_space<hbm>>) dst(%dma_wait3A_230 : memref<1024xf32, #tpu.memory_space<vmem>>)
    %dma_wait3A_235 = arith.constant 6144 : i32
    %dma_wait3A_236 = tpu.memref_slice %arg11[%dma_wait3A_235] : memref<13312xf32, #tpu.memory_space<vmem>> -> memref<1024xf32, #tpu.memory_space<vmem>>
    %dma_wait3A_237 = arith.constant 6144 : i32
    %dma_wait3A_238 = tpu.memref_slice %arg9[%dma_wait3A_237] : memref<13312xi32, #tpu.memory_space<vmem>> -> memref<1024xi32, #tpu.memory_space<vmem>>
    %dma_wait3A_239 = arith.constant 0 : i32
    %dma_wait3A_240 = tpu.memref_slice %arg4[%dma_wait3A_239] : memref<2600000xf32, #tpu.memory_space<hbm>> -> memref<2600000xf32, #tpu.memory_space<hbm>>
    tpu.wait_indirect_dma semaphore(%arg16 : memref<!tpu.dma_semaphore, #tpu.memory_space<semaphore_mem>>) src(%dma_wait3A_240 : memref<2600000xf32, #tpu.memory_space<hbm>>) dst(%dma_wait3A_236 : memref<1024xf32, #tpu.memory_space<vmem>>)
    %dma_wait3A_241 = arith.constant 7168 : i32
    %dma_wait3A_242 = tpu.memref_slice %arg10[%dma_wait3A_241] : memref<13312xf32, #tpu.memory_space<vmem>> -> memref<1024xf32, #tpu.memory_space<vmem>>
    %dma_wait3A_243 = arith.constant 7168 : i32
    %dma_wait3A_244 = tpu.memref_slice %arg9[%dma_wait3A_243] : memref<13312xi32, #tpu.memory_space<vmem>> -> memref<1024xi32, #tpu.memory_space<vmem>>
    %dma_wait3A_245 = arith.constant 0 : i32
    %dma_wait3A_246 = tpu.memref_slice %arg3[%dma_wait3A_245] : memref<2600000xf32, #tpu.memory_space<hbm>> -> memref<2600000xf32, #tpu.memory_space<hbm>>
    tpu.wait_indirect_dma semaphore(%arg16 : memref<!tpu.dma_semaphore, #tpu.memory_space<semaphore_mem>>) src(%dma_wait3A_246 : memref<2600000xf32, #tpu.memory_space<hbm>>) dst(%dma_wait3A_242 : memref<1024xf32, #tpu.memory_space<vmem>>)
    %dma_wait3A_247 = arith.constant 7168 : i32
    %dma_wait3A_248 = tpu.memref_slice %arg11[%dma_wait3A_247] : memref<13312xf32, #tpu.memory_space<vmem>> -> memref<1024xf32, #tpu.memory_space<vmem>>
    %dma_wait3A_249 = arith.constant 7168 : i32
    %dma_wait3A_250 = tpu.memref_slice %arg9[%dma_wait3A_249] : memref<13312xi32, #tpu.memory_space<vmem>> -> memref<1024xi32, #tpu.memory_space<vmem>>
    %dma_wait3A_251 = arith.constant 0 : i32
    %dma_wait3A_252 = tpu.memref_slice %arg4[%dma_wait3A_251] : memref<2600000xf32, #tpu.memory_space<hbm>> -> memref<2600000xf32, #tpu.memory_space<hbm>>
    tpu.wait_indirect_dma semaphore(%arg16 : memref<!tpu.dma_semaphore, #tpu.memory_space<semaphore_mem>>) src(%dma_wait3A_252 : memref<2600000xf32, #tpu.memory_space<hbm>>) dst(%dma_wait3A_248 : memref<1024xf32, #tpu.memory_space<vmem>>)
    %dma_wait3A_253 = arith.constant 8192 : i32
    %dma_wait3A_254 = tpu.memref_slice %arg10[%dma_wait3A_253] : memref<13312xf32, #tpu.memory_space<vmem>> -> memref<1024xf32, #tpu.memory_space<vmem>>
    %dma_wait3A_255 = arith.constant 8192 : i32
    %dma_wait3A_256 = tpu.memref_slice %arg9[%dma_wait3A_255] : memref<13312xi32, #tpu.memory_space<vmem>> -> memref<1024xi32, #tpu.memory_space<vmem>>
    %dma_wait3A_257 = arith.constant 0 : i32
    %dma_wait3A_258 = tpu.memref_slice %arg3[%dma_wait3A_257] : memref<2600000xf32, #tpu.memory_space<hbm>> -> memref<2600000xf32, #tpu.memory_space<hbm>>
    tpu.wait_indirect_dma semaphore(%arg16 : memref<!tpu.dma_semaphore, #tpu.memory_space<semaphore_mem>>) src(%dma_wait3A_258 : memref<2600000xf32, #tpu.memory_space<hbm>>) dst(%dma_wait3A_254 : memref<1024xf32, #tpu.memory_space<vmem>>)
    %dma_wait3A_259 = arith.constant 8192 : i32
    %dma_wait3A_260 = tpu.memref_slice %arg11[%dma_wait3A_259] : memref<13312xf32, #tpu.memory_space<vmem>> -> memref<1024xf32, #tpu.memory_space<vmem>>
    %dma_wait3A_261 = arith.constant 8192 : i32
    %dma_wait3A_262 = tpu.memref_slice %arg9[%dma_wait3A_261] : memref<13312xi32, #tpu.memory_space<vmem>> -> memref<1024xi32, #tpu.memory_space<vmem>>
    %dma_wait3A_263 = arith.constant 0 : i32
    %dma_wait3A_264 = tpu.memref_slice %arg4[%dma_wait3A_263] : memref<2600000xf32, #tpu.memory_space<hbm>> -> memref<2600000xf32, #tpu.memory_space<hbm>>
    tpu.wait_indirect_dma semaphore(%arg16 : memref<!tpu.dma_semaphore, #tpu.memory_space<semaphore_mem>>) src(%dma_wait3A_264 : memref<2600000xf32, #tpu.memory_space<hbm>>) dst(%dma_wait3A_260 : memref<1024xf32, #tpu.memory_space<vmem>>)
    %dma_wait3A_265 = arith.constant 9216 : i32
    %dma_wait3A_266 = tpu.memref_slice %arg10[%dma_wait3A_265] : memref<13312xf32, #tpu.memory_space<vmem>> -> memref<1024xf32, #tpu.memory_space<vmem>>
    %dma_wait3A_267 = arith.constant 9216 : i32
    %dma_wait3A_268 = tpu.memref_slice %arg9[%dma_wait3A_267] : memref<13312xi32, #tpu.memory_space<vmem>> -> memref<1024xi32, #tpu.memory_space<vmem>>
    %dma_wait3A_269 = arith.constant 0 : i32
    %dma_wait3A_270 = tpu.memref_slice %arg3[%dma_wait3A_269] : memref<2600000xf32, #tpu.memory_space<hbm>> -> memref<2600000xf32, #tpu.memory_space<hbm>>
    tpu.wait_indirect_dma semaphore(%arg16 : memref<!tpu.dma_semaphore, #tpu.memory_space<semaphore_mem>>) src(%dma_wait3A_270 : memref<2600000xf32, #tpu.memory_space<hbm>>) dst(%dma_wait3A_266 : memref<1024xf32, #tpu.memory_space<vmem>>)
    %dma_wait3A_271 = arith.constant 9216 : i32
    %dma_wait3A_272 = tpu.memref_slice %arg11[%dma_wait3A_271] : memref<13312xf32, #tpu.memory_space<vmem>> -> memref<1024xf32, #tpu.memory_space<vmem>>
    %dma_wait3A_273 = arith.constant 9216 : i32
    %dma_wait3A_274 = tpu.memref_slice %arg9[%dma_wait3A_273] : memref<13312xi32, #tpu.memory_space<vmem>> -> memref<1024xi32, #tpu.memory_space<vmem>>
    %dma_wait3A_275 = arith.constant 0 : i32
    %dma_wait3A_276 = tpu.memref_slice %arg4[%dma_wait3A_275] : memref<2600000xf32, #tpu.memory_space<hbm>> -> memref<2600000xf32, #tpu.memory_space<hbm>>
    tpu.wait_indirect_dma semaphore(%arg16 : memref<!tpu.dma_semaphore, #tpu.memory_space<semaphore_mem>>) src(%dma_wait3A_276 : memref<2600000xf32, #tpu.memory_space<hbm>>) dst(%dma_wait3A_272 : memref<1024xf32, #tpu.memory_space<vmem>>)
    %dma_wait3A_277 = arith.constant 10240 : i32
    %dma_wait3A_278 = tpu.memref_slice %arg10[%dma_wait3A_277] : memref<13312xf32, #tpu.memory_space<vmem>> -> memref<1024xf32, #tpu.memory_space<vmem>>
    %dma_wait3A_279 = arith.constant 10240 : i32
    %dma_wait3A_280 = tpu.memref_slice %arg9[%dma_wait3A_279] : memref<13312xi32, #tpu.memory_space<vmem>> -> memref<1024xi32, #tpu.memory_space<vmem>>
    %dma_wait3A_281 = arith.constant 0 : i32
    %dma_wait3A_282 = tpu.memref_slice %arg3[%dma_wait3A_281] : memref<2600000xf32, #tpu.memory_space<hbm>> -> memref<2600000xf32, #tpu.memory_space<hbm>>
    tpu.wait_indirect_dma semaphore(%arg16 : memref<!tpu.dma_semaphore, #tpu.memory_space<semaphore_mem>>) src(%dma_wait3A_282 : memref<2600000xf32, #tpu.memory_space<hbm>>) dst(%dma_wait3A_278 : memref<1024xf32, #tpu.memory_space<vmem>>)
    %dma_wait3A_283 = arith.constant 10240 : i32
    %dma_wait3A_284 = tpu.memref_slice %arg11[%dma_wait3A_283] : memref<13312xf32, #tpu.memory_space<vmem>> -> memref<1024xf32, #tpu.memory_space<vmem>>
    %dma_wait3A_285 = arith.constant 10240 : i32
    %dma_wait3A_286 = tpu.memref_slice %arg9[%dma_wait3A_285] : memref<13312xi32, #tpu.memory_space<vmem>> -> memref<1024xi32, #tpu.memory_space<vmem>>
    %dma_wait3A_287 = arith.constant 0 : i32
    %dma_wait3A_288 = tpu.memref_slice %arg4[%dma_wait3A_287] : memref<2600000xf32, #tpu.memory_space<hbm>> -> memref<2600000xf32, #tpu.memory_space<hbm>>
    tpu.wait_indirect_dma semaphore(%arg16 : memref<!tpu.dma_semaphore, #tpu.memory_space<semaphore_mem>>) src(%dma_wait3A_288 : memref<2600000xf32, #tpu.memory_space<hbm>>) dst(%dma_wait3A_284 : memref<1024xf32, #tpu.memory_space<vmem>>)
    %dma_wait3A_289 = arith.constant 11264 : i32
    %dma_wait3A_290 = tpu.memref_slice %arg10[%dma_wait3A_289] : memref<13312xf32, #tpu.memory_space<vmem>> -> memref<1024xf32, #tpu.memory_space<vmem>>
    %dma_wait3A_291 = arith.constant 11264 : i32
    %dma_wait3A_292 = tpu.memref_slice %arg9[%dma_wait3A_291] : memref<13312xi32, #tpu.memory_space<vmem>> -> memref<1024xi32, #tpu.memory_space<vmem>>
    %dma_wait3A_293 = arith.constant 0 : i32
    %dma_wait3A_294 = tpu.memref_slice %arg3[%dma_wait3A_293] : memref<2600000xf32, #tpu.memory_space<hbm>> -> memref<2600000xf32, #tpu.memory_space<hbm>>
    tpu.wait_indirect_dma semaphore(%arg16 : memref<!tpu.dma_semaphore, #tpu.memory_space<semaphore_mem>>) src(%dma_wait3A_294 : memref<2600000xf32, #tpu.memory_space<hbm>>) dst(%dma_wait3A_290 : memref<1024xf32, #tpu.memory_space<vmem>>)
    %dma_wait3A_295 = arith.constant 11264 : i32
    %dma_wait3A_296 = tpu.memref_slice %arg11[%dma_wait3A_295] : memref<13312xf32, #tpu.memory_space<vmem>> -> memref<1024xf32, #tpu.memory_space<vmem>>
    %dma_wait3A_297 = arith.constant 11264 : i32
    %dma_wait3A_298 = tpu.memref_slice %arg9[%dma_wait3A_297] : memref<13312xi32, #tpu.memory_space<vmem>> -> memref<1024xi32, #tpu.memory_space<vmem>>
    %dma_wait3A_299 = arith.constant 0 : i32
    %dma_wait3A_300 = tpu.memref_slice %arg4[%dma_wait3A_299] : memref<2600000xf32, #tpu.memory_space<hbm>> -> memref<2600000xf32, #tpu.memory_space<hbm>>
    tpu.wait_indirect_dma semaphore(%arg16 : memref<!tpu.dma_semaphore, #tpu.memory_space<semaphore_mem>>) src(%dma_wait3A_300 : memref<2600000xf32, #tpu.memory_space<hbm>>) dst(%dma_wait3A_296 : memref<1024xf32, #tpu.memory_space<vmem>>)
    %dma_wait3A_301 = arith.constant 12288 : i32
    %dma_wait3A_302 = tpu.memref_slice %arg10[%dma_wait3A_301] : memref<13312xf32, #tpu.memory_space<vmem>> -> memref<1024xf32, #tpu.memory_space<vmem>>
    %dma_wait3A_303 = arith.constant 12288 : i32
    %dma_wait3A_304 = tpu.memref_slice %arg9[%dma_wait3A_303] : memref<13312xi32, #tpu.memory_space<vmem>> -> memref<1024xi32, #tpu.memory_space<vmem>>
    %dma_wait3A_305 = arith.constant 0 : i32
    %dma_wait3A_306 = tpu.memref_slice %arg3[%dma_wait3A_305] : memref<2600000xf32, #tpu.memory_space<hbm>> -> memref<2600000xf32, #tpu.memory_space<hbm>>
    tpu.wait_indirect_dma semaphore(%arg16 : memref<!tpu.dma_semaphore, #tpu.memory_space<semaphore_mem>>) src(%dma_wait3A_306 : memref<2600000xf32, #tpu.memory_space<hbm>>) dst(%dma_wait3A_302 : memref<1024xf32, #tpu.memory_space<vmem>>)
    %dma_wait3A_307 = arith.constant 12288 : i32
    %dma_wait3A_308 = tpu.memref_slice %arg11[%dma_wait3A_307] : memref<13312xf32, #tpu.memory_space<vmem>> -> memref<1024xf32, #tpu.memory_space<vmem>>
    %dma_wait3A_309 = arith.constant 12288 : i32
    %dma_wait3A_310 = tpu.memref_slice %arg9[%dma_wait3A_309] : memref<13312xi32, #tpu.memory_space<vmem>> -> memref<1024xi32, #tpu.memory_space<vmem>>
    %dma_wait3A_311 = arith.constant 0 : i32
    %dma_wait3A_312 = tpu.memref_slice %arg4[%dma_wait3A_311] : memref<2600000xf32, #tpu.memory_space<hbm>> -> memref<2600000xf32, #tpu.memory_space<hbm>>
    tpu.wait_indirect_dma semaphore(%arg16 : memref<!tpu.dma_semaphore, #tpu.memory_space<semaphore_mem>>) src(%dma_wait3A_312 : memref<2600000xf32, #tpu.memory_space<hbm>>) dst(%dma_wait3A_308 : memref<1024xf32, #tpu.memory_space<vmem>>)
    %scan3A = arith.constant 0 : i32
    %scan3A_313 = arith.constant 0 : i32
    %scan3A_314 = arith.constant 32 : i32
    %scan3A_315 = arith.addi %scan3A_313, %scan3A_314 : i32
    %scan3A_316 = arith.constant 1 : i32
    %scan3A_317 = scf.for %scan3A_323 = %scan3A_313 to %scan3A_315 step %scan3A_316 iter_args(%scan3A_324 = %scan3A) -> (i32)  : i32 {
      %get3A = arith.constant 0 : index
      %get3A_325 = tpu.vector_load %arg12[%get3A] {strides = array<i32>} : memref<16xf32, #tpu.memory_space<vmem>>, vector<16xf32>,
      %get3A_326 = arith.constant 0 : index
      %get3A_327 = tpu.vector_load %arg13[%get3A_326] {strides = array<i32>} : memref<16xf32, #tpu.memory_space<vmem>>, vector<16xf32>,
      %scan3A_328 = arith.constant 0 : i32
      %scan3A_329 = arith.constant 26 : i32
      %scan3A_330 = arith.addi %scan3A_328, %scan3A_329 : i32
      %scan3A_331 = arith.constant 1 : i32
      %scan3A_332:2 = scf.for %scan3A_350 = %scan3A_328 to %scan3A_330 step %scan3A_331 iter_args(%scan3A_351 = %get3A_325, %scan3A_352 = %get3A_327) -> (vector<16xf32>, vector<16xf32>)  : i32 {
        %mul3A_353 = arith.constant 512 : i32
        %mul3A_354 = arith.muli %scan3A_350, %mul3A_353 : i32
        %mul3A_355 = arith.constant 16 : i32
        %mul3A_356 = arith.muli %scan3A_323, %mul3A_355 : i32
        %add3A_357 = arith.addi %mul3A_354, %mul3A_356 : i32
        %get3A_358 = arith.index_cast %add3A_357 : i32 to index
        %get3A_359 = tpu.vector_load %arg10[%get3A_358] {strides = array<i32>} : memref<13312xf32, #tpu.memory_space<vmem>>, vector<16xf32>,
        %add3A_360 = arith.addf %scan3A_351, %get3A_359 : vector<16xf32>
        %get3A_361 = arith.index_cast %add3A_357 : i32 to index
        %get3A_362 = tpu.vector_load %arg11[%get3A_361] {strides = array<i32>} : memref<13312xf32, #tpu.memory_space<vmem>>, vector<16xf32>,
        %add3A_363 = arith.addf %scan3A_352, %get3A_362 : vector<16xf32>
        scf.yield %add3A_360, %add3A_363 : vector<16xf32>, vector<16xf32>
      }
      %scan3A_333 = arith.constant 26 : i32
      %neg3A = arith.constant 0.000000e+00 : f32
      %neg3A_334 = vector.broadcast %neg3A : f32 to vector<16xf32>
      %neg3A_335 = arith.subf %neg3A_334, %scan3A_332#0 : vector<16xf32>
      %exp3A = math.exp %neg3A_335 : vector<16xf32>
      %add3A_336 = arith.constant 1.000000e+00 : f32
      %add3A_337 = vector.broadcast %add3A_336 : f32 to vector<16xf32>
      %add3A_338 = arith.addf %add3A_337, %exp3A : vector<16xf32>
      %div3A = arith.constant 1.000000e+00 : f32
      %div3A_339 = vector.broadcast %div3A : f32 to vector<16xf32>
      %div3A_340 = arith.divf %div3A_339, %add3A_338 : vector<16xf32>
      %mul3A_341 = arith.constant 16 : i32
      %mul3A_342 = arith.muli %scan3A_323, %mul3A_341 : i32
      %swap3A = arith.index_cast %mul3A_342 : i32 to index
      %swap3A_343 = tpu.vector_load %arg14[%swap3A] {strides = array<i32>} : memref<512xf32, #tpu.memory_space<vmem>>, vector<16xf32>,
      tpu.vector_store %arg14[%swap3A], %div3A_340 {strides = array<i32>} : memref<512xf32, #tpu.memory_space<vmem>>, vector<16xf32>,
      %exp3A_344 = math.exp %scan3A_332#1 : vector<16xf32>
      %mul3A_345 = arith.constant 16 : i32
      %mul3A_346 = arith.muli %scan3A_323, %mul3A_345 : i32
      %swap3A_347 = arith.index_cast %mul3A_346 : i32 to index
      %swap3A_348 = tpu.vector_load %arg15[%swap3A_347] {strides = array<i32>} : memref<512xf32, #tpu.memory_space<vmem>>, vector<16xf32>,
      tpu.vector_store %arg15[%swap3A_347], %exp3A_344 {strides = array<i32>} : memref<512xf32, #tpu.memory_space<vmem>>, vector<16xf32>,
      %scan3A_349 = arith.constant 0 : i32
      scf.yield %scan3A_349 : i32
    }
    %scan3A_318 = arith.constant 32 : i32
    %mul3A_319 = arith.constant 512 : i32
    %mul3A_320 = arith.muli %add3A, %mul3A_319 : i32
    "tpu.region"() ({
      %run_scoped3A = tpu.sem_alloc : memref<!tpu.dma_semaphore, #tpu.memory_space<semaphore_mem>>
      %dma_start3A_323 = tpu.memref_slice %arg7[%mul3A_320] : memref<16384xf32, #tpu.memory_space<hbm>> -> memref<512xf32, #tpu.memory_space<hbm>>
      %dma_start3A_324 = tpu.memref_slice %arg7[%mul3A_320] : memref<16384xf32, #tpu.memory_space<hbm>> -> memref<512xf32, #tpu.memory_space<hbm>>
      tpu.enqueue_dma source(%arg14 : memref<512xf32, #tpu.memory_space<vmem>>) target(%dma_start3A_324 : memref<512xf32, #tpu.memory_space<hbm>>) target_semaphore(%run_scoped3A : memref<!tpu.dma_semaphore, #tpu.memory_space<semaphore_mem>>)
      %dma_wait3A_325 = tpu.memref_slice %arg7[%mul3A_320] : memref<16384xf32, #tpu.memory_space<hbm>> -> memref<512xf32, #tpu.memory_space<hbm>>
      %dma_wait3A_326 = tpu.memref_slice %arg7[%mul3A_320] : memref<16384xf32, #tpu.memory_space<hbm>> -> memref<512xf32, #tpu.memory_space<hbm>>
      tpu.wait_dma2 semaphore(%run_scoped3A : memref<!tpu.dma_semaphore, #tpu.memory_space<semaphore_mem>>) src(%arg14 : memref<512xf32, #tpu.memory_space<vmem>>) dst(%dma_wait3A_326 : memref<512xf32, #tpu.memory_space<hbm>>)
      tpu.yield
    }) : () -> ()
    %mul3A_321 = arith.constant 512 : i32
    %mul3A_322 = arith.muli %add3A, %mul3A_321 : i32
    "tpu.region"() ({
      %run_scoped3A = tpu.sem_alloc : memref<!tpu.dma_semaphore, #tpu.memory_space<semaphore_mem>>
      %dma_start3A_323 = tpu.memref_slice %arg8[%mul3A_322] : memref<16384xf32, #tpu.memory_space<hbm>> -> memref<512xf32, #tpu.memory_space<hbm>>
      %dma_start3A_324 = tpu.memref_slice %arg8[%mul3A_322] : memref<16384xf32, #tpu.memory_space<hbm>> -> memref<512xf32, #tpu.memory_space<hbm>>
      tpu.enqueue_dma source(%arg15 : memref<512xf32, #tpu.memory_space<vmem>>) target(%dma_start3A_324 : memref<512xf32, #tpu.memory_space<hbm>>) target_semaphore(%run_scoped3A : memref<!tpu.dma_semaphore, #tpu.memory_space<semaphore_mem>>)
      %dma_wait3A_325 = tpu.memref_slice %arg8[%mul3A_322] : memref<16384xf32, #tpu.memory_space<hbm>> -> memref<512xf32, #tpu.memory_space<hbm>>
      %dma_wait3A_326 = tpu.memref_slice %arg8[%mul3A_322] : memref<16384xf32, #tpu.memory_space<hbm>> -> memref<512xf32, #tpu.memory_space<hbm>>
      tpu.wait_dma2 semaphore(%run_scoped3A : memref<!tpu.dma_semaphore, #tpu.memory_space<semaphore_mem>>) src(%arg15 : memref<512xf32, #tpu.memory_space<vmem>>) dst(%dma_wait3A_326 : memref<512xf32, #tpu.memory_space<hbm>>)
      tpu.yield
    }) : () -> ()
    return
  }
}

module attributes {stable_mosaic.version = 14 : i64} {
  func.func @_tc_body(%arg0: i32, %arg1: memref<26x32xf32, #tpu.memory_space<vmem>>, %arg2: memref<26x32xf32, #tpu.memory_space<vmem>>, %arg3: memref<26x32x2560xf32, #tpu.memory_space<vmem>>, %arg4: memref<26x2560xf32, #tpu.memory_space<vmem>>, %arg5: memref<26x2560xf32, #tpu.memory_space<vmem>>) attributes {dimension_semantics = [#tpu.dimension_semantics<arbitrary>], iteration_bounds = array<i64: 40>, scalar_prefetch = 0 : i64, scratch_operands = 0 : i64, tpu.core_type = #tpu.core_type<tc>, window_params = [{pipeline_mode = #tpu.pipeline_mode<synchronous>, transform_indices = @transform_0, window_bounds = array<i64: 26, 32>}, {pipeline_mode = #tpu.pipeline_mode<synchronous>, transform_indices = @transform_1, window_bounds = array<i64: 26, 32>}, {transform_indices = @transform_2, window_bounds = array<i64: 26, 32, 2560>}, {transform_indices = @transform_3, window_bounds = array<i64: 26, 2560>}, {transform_indices = @transform_4, window_bounds = array<i64: 26, 2560>}]} {
    %get3A = arith.constant 0 : index
    %get3A_0 = arith.constant 0 : index
    %get3A_1 = arith.constant 0 : index
    %get3A_2 = vector.load %arg3[%get3A, %get3A_0, %get3A_1] : memref<26x32x2560xf32, #tpu.memory_space<vmem>>, vector<26x32x2560xf32>
    %get3A_3 = arith.constant 0 : index
    %get3A_4 = arith.constant 0 : index
    %get3A_5 = vector.load %arg1[%get3A_3, %get3A_4] : memref<26x32xf32, #tpu.memory_space<vmem>>, vector<26x32xf32>
    %dot_general3A = arith.constant dense<0.000000e+00> : vector<26x2560xf32>
    %dot_general3A_6 = tpu.matmul %get3A_5, %get3A_2, %dot_general3A {dimension_numbers = #tpu.dot_dimension_numbers<[1], [1], [], [2], [0, 0, 1, 2], [0], [0]>, transpose_lhs_hint = false} : vector<26x32xf32>, vector<26x32x2560xf32>, vector<26x2560xf32> -> vector<26x2560xf32>
    %swap3A = arith.constant 0 : index
    %swap3A_7 = arith.constant 0 : index
    %swap3A_8 = vector.load %arg4[%swap3A, %swap3A_7] : memref<26x2560xf32, #tpu.memory_space<vmem>>, vector<26x2560xf32>
    tpu.vector_store %arg4[%swap3A, %swap3A_7], %dot_general3A_6 {strides = array<i32>} : memref<26x2560xf32, #tpu.memory_space<vmem>>, vector<26x2560xf32>,
    %get3A_9 = arith.constant 0 : index
    %get3A_10 = arith.constant 0 : index
    %get3A_11 = vector.load %arg2[%get3A_9, %get3A_10] : memref<26x32xf32, #tpu.memory_space<vmem>>, vector<26x32xf32>
    %dot_general3A_12 = arith.constant dense<0.000000e+00> : vector<26x2560xf32>
    %dot_general3A_13 = tpu.matmul %get3A_11, %get3A_2, %dot_general3A_12 {dimension_numbers = #tpu.dot_dimension_numbers<[1], [1], [], [2], [0, 0, 1, 2], [0], [0]>, transpose_lhs_hint = false} : vector<26x32xf32>, vector<26x32x2560xf32>, vector<26x2560xf32> -> vector<26x2560xf32>
    %swap3A_14 = arith.constant 0 : index
    %swap3A_15 = arith.constant 0 : index
    %swap3A_16 = vector.load %arg5[%swap3A_14, %swap3A_15] : memref<26x2560xf32, #tpu.memory_space<vmem>>, vector<26x2560xf32>
    tpu.vector_store %arg5[%swap3A_14, %swap3A_15], %dot_general3A_13 {strides = array<i32>} : memref<26x2560xf32, #tpu.memory_space<vmem>>, vector<26x2560xf32>,
    return
  }
  func.func @transform_0(%arg0: i32) -> (i32, i32) {
    %c0_i32 = arith.constant 0 : i32
    %c0_i32_0 = arith.constant 0 : i32
    %c0_i32_1 = arith.constant 0 : i32
    return %c0_i32, %c0_i32_0 : i32, i32
  }
  func.func @transform_1(%arg0: i32) -> (i32, i32) {
    %c0_i32 = arith.constant 0 : i32
    %c0_i32_0 = arith.constant 0 : i32
    %c0_i32_1 = arith.constant 0 : i32
    return %c0_i32, %c0_i32_0 : i32, i32
  }
  func.func @transform_2(%arg0: i32) -> (i32, i32, i32) {
    %c0_i32 = arith.constant 0 : i32
    %c0_i32_0 = arith.constant 0 : i32
    %c0_i32_1 = arith.constant 0 : i32
    return %c0_i32, %c0_i32_0, %arg0 : i32, i32, i32
  }
  func.func @transform_3(%arg0: i32) -> (i32, i32) {
    %c0_i32 = arith.constant 0 : i32
    %c0_i32_0 = arith.constant 0 : i32
    return %c0_i32, %arg0 : i32, i32
  }
  func.func @transform_4(%arg0: i32) -> (i32, i32) {
    %c0_i32 = arith.constant 0 : i32
    %c0_i32_0 = arith.constant 0 : i32
    return %c0_i32, %arg0 : i32, i32
  }
}

</mosaic_0001>

<sc_bundles>
// kernel: _run.4.cloned.1.call-start
scs
__scs_entry_jumppad:
0x0: {  	(pc) =	sbr.rel $0x88, $3  }
0x1: {  	(tag) =	ssettag $0x0;
	lr =	simm.s32 $0x1  }
0x2: {  	[smem:$0x3F9B] =	sst lr;
	_ =	strace $0xD0000000  }
0x3: {  	_ = 	snop  }
0x4: {  	_ = 	snop  }
0x5: {  	_ = 	snop  }
0x6: {  	_ = 	snop  }
0x7: {  	_ = 	snop  }
__scs_overlays_trampoline_lowered:
0x8: {  	[smem:$0x3FAA] =	sst s0  }
0x9: {  	[smem:$0x3FAB] =	sst s1  }
0xa: {  	[smem:$0x3FAC] =	sst s2  }
0xb: {  	[smem:$0x3FAD] =	sst s3  }
0xc: {  	[smem:$0x3FAE] =	sst s4  }
0xd: {  	[smem:$0x3FAF] =	sst s5  }
0xe: {  	[smem:$0x3FB0] =	sst s6  }
0xf: {  	[smem:$0x3FB1] =	sst s7  }
0x10: {  	[smem:$0x3FB2] =	sst s8  }
0x11: {  	[smem:$0x3FB3] =	sst s9;
	s0 =	simm.s32 @!p0 $0x0  }
0x12: {  	s1 =	sld [smem:$0x3F99];
	s0 =	simm.s32 @p0 $0x1  }
0x13: {  	[smem:$0x3FB4] =	sst s0;
	s0 =	simm.s32 @!p1 $0x0  }
0x14: {  	s2 =	sld [smem:$0x3F98];
	s0 =	simm.s32 @p1 $0x1  }
0x15: {  	[smem:$0x3FB5] =	sst s0;
	s0 =	simm.s32 @!p2 $0x0  }
0x16: {  	s3 =	sld [smem:$0x3FDB];
	s0 =	simm.s32 @p2 $0x1  }
0x17: {  	s4 =	simm.s32 $0x1BF5;
	[smem:$0x3FB7] =	sst s0  }
0x18: {  	s0 =	sld [smem:$0x3F9A];
	_ =	swait.ge [sflag:s4], $0x0  }
0x19: {  	s7 =	sld [smem:$0x3F9B]  }
0x1a: {  	s8 =	sadd.s32 $0xFFFFE003, lr  }
0x1b: {  	s9 =	sadd.s32 $0xFFFFFEF7, lr;
	s5 =	simm.s32 $0xFFFFFFFF;
	p2 =	slt.u32 s8, $0xFFFFF086  }
0x1c: {  	p1 =	slt.u32 s9, $0xF7A;
	s5 =	simm.s32 @!p2 $0x0  }
0x1d: {  	s5 =	simm.s32 @p1 $0x1;
	p0 =	seq.s32 s7, s2  }
0x1e: {  	s7 =	smul.u32 @!p0 $0xF7A, s2;
	p2 =	seq.s32 @!p0 s5, $0x0  }
0x1f: {  	s9 =	smul.u32 $0xF7A, s1;
	s8 =	simm.s32 @!p0 $0x1BF5;
	p2 =	por !p2, p0  }
0x20: {  	[sflag:s8] =	ssyncset.s32 @!p0 $0xFFFFF086;
	s6 =	sadd.s32 @!p0 s3, s7;
	s7 =	simm.s32 @!p0 $0x108  }
0x21: {  	s3 =	sadd.s32 s3, s9;
	s6 =	sadd.s32 @!p0 $0x88, s6;
	s7 =	simm.s32 @p2 $0x1082  }
0x22: {  	[simem:s7], [sflag:s8] =	dma.local @!p0 [hbm:s6], $0xF7A  }
0x23: {  	s9 =	sor.u32 $0xD0000000, s2;
	s6 =	simm.s32 $0x108;
	_ =	swait.ge @!p0 [sflag:s8], $0x0  }
0x24: {  	s3 =	sadd.s32 $0x88, s3;
	s6 =	simm.s32 @!p1 $0x1082;
	[sflag:s4] =	ssyncset.s32 $0xFFFFF086  }
0x25: {  	[simem:s6], [sflag:s4] =	dma.local [hbm:s3], $0xF7A  }
0x26: {  	[smem:$0x3F9B] =	sst s1;
	(tag) =	ssettag s2;
	_ =	strace s9  }
0x27: {  	s1 =	sld [smem:$0x3FAB]  }
0x28: {  	s2 =	sld [smem:$0x3FAC]  }
0x29: {  	s4 =	sld [smem:$0x3FAE]  }
0x2a: {  	p0 =	seq.s32 s5, $0x0;
	s5 =	sld [smem:$0x3FAF]  }
0x2b: {  	s6 =	sld [smem:$0x3FB0]  }
0x2c: {  	s7 =	sld [smem:$0x3FB1]  }
0x2d: {  	s3 =	simm.s32 $0x108;
	s8 =	sld [smem:$0x3FB2]  }
0x2e: {  	s3 =	simm.s32 @!p0 $0x1082;
	s9 =	sld [smem:$0x3FB3]  }
0x2f: {  	lr =	sadd.s32 s0, s3;
	s0 =	sld [smem:$0x3FAA]  }
0x30: {  	s3 =	sld [smem:$0x3FAD]  }
0x31: {  	[smem:$0x3FB6] =	sst s10  }
0x32: {  	s10 =	sld [smem:$0x3FB4];
	_ =	sdelay $0x3  }
0x33: {  	p0 =	seq.s32 s10, $0x1;
	s10 =	sld [smem:$0x3FB6];
	_ =	sdelay $0x3  }
0x34: {  	[smem:$0x3FB6] =	sst s10  }
0x35: {  	s10 =	sld [smem:$0x3FB5];
	_ =	sdelay $0x3  }
0x36: {  	p1 =	seq.s32 s10, $0x1;
	s10 =	sld [smem:$0x3FB6];
	_ =	sdelay $0x3  }
0x37: {  	[smem:$0x3FB6] =	sst s10  }
0x38: {  	s10 =	sld [smem:$0x3FB7]  }
0x39: {  	_ = 	snop;
	(pc) =	sbr.ind lr, $3  }
0x3a: {  	_ = 	snop  }
0x3b: {  	_ = 	snop  }
0x3c: {  	p2 =	seq.s32 s10, $0x1;
	s10 =	sld [smem:$0x3FB6]  }
0x3d: {  	_ =	shalt  }
0x3e: {  	_ =	shalt  }
0x3f: {  	_ =	shalt  }
0x40: {  	_ =	shalt  }
0x41: {  	_ =	shalt  }
0x42: {  	_ =	shalt  }
0x43: {  	_ =	shalt  }
0x44: {  	_ =	shalt  }
0x45: {  	_ =	shalt  }
0x46: {  	_ =	shalt  }
0x47: {  	_ =	shalt  }
0x48: {  	_ =	shalt  }
0x49: {  	_ =	shalt  }
0x4a: {  	_ =	shalt  }
0x4b: {  	_ =	shalt  }
0x4c: {  	_ =	shalt  }
0x4d: {  	_ =	shalt  }
0x4e: {  	_ =	shalt  }
0x4f: {  	_ =	shalt  }
0x50: {  	_ =	shalt  }
0x51: {  	_ =	shalt  }
0x52: {  	_ =	shalt  }
0x53: {  	_ =	shalt  }
0x54: {  	_ =	shalt  }
0x55: {  	_ =	shalt  }
0x56: {  	_ =	shalt  }
0x57: {  	_ =	shalt  }
0x58: {  	_ =	shalt  }
0x59: {  	_ =	shalt  }
0x5a: {  	_ =	shalt  }
0x5b: {  	_ =	shalt  }
0x5c: {  	_ =	shalt  }
0x5d: {  	_ =	shalt  }
0x5e: {  	_ =	shalt  }
0x5f: {  	_ =	shalt  }
0x60: {  	_ =	shalt  }
0x61: {  	_ =	shalt  }
0x62: {  	_ =	shalt  }
0x63: {  	_ =	shalt  }
0x64: {  	_ =	shalt  }
0x65: {  	_ =	shalt  }
0x66: {  	_ =	shalt  }
0x67: {  	_ =	shalt  }
0x68: {  	_ =	shalt  }
0x69: {  	_ =	shalt  }
0x6a: {  	_ =	shalt  }
0x6b: {  	_ =	shalt  }
0x6c: {  	_ =	shalt  }
0x6d: {  	_ =	shalt  }
0x6e: {  	_ =	shalt  }
0x6f: {  	_ =	shalt  }
0x70: {  	_ =	shalt  }
0x71: {  	_ =	shalt  }
0x72: {  	_ =	shalt  }
0x73: {  	_ =	shalt  }
0x74: {  	_ =	shalt  }
0x75: {  	_ =	shalt  }
0x76: {  	_ =	shalt  }
0x77: {  	_ =	shalt  }
0x78: {  	_ =	shalt  }
0x79: {  	_ =	shalt  }
0x7a: {  	_ =	shalt  }
0x7b: {  	_ =	shalt  }
0x7c: {  	_ =	shalt  }
0x7d: {  	_ =	shalt  }
0x7e: {  	_ =	shalt  }
0x7f: {  	_ =	shalt  }
0x80: {  	_ =	shalt  }
0x81: {  	_ =	shalt  }
0x82: {  	_ =	shalt  }
0x83: {  	_ =	shalt  }
0x84: {  	_ =	shalt  }
0x85: {  	_ =	shalt  }
0x86: {  	_ =	shalt  }
0x87: {  	_ =	shalt  }
.Lfunc_end0:
.L_simem_size_0:
called_computation_lowered:
.L_overlay_start_0:
0x88: {  	s2 =	sld [smem:$0x3FD9]  }
0x89: {  	s3 =	sld [smem:$0x3FFE];
	_ =	sdelay $0x1  }
0x8a: {  	s1 =	srdreg.scid  }
0x8b: {  	s0 =	sand.u32 $0x1, s1  }
0x8c: {  	s14 =	sshll.u32 s0, $0xA;
	s2 =	sadd.s32 s3, s2  }
0x8d: {  	s2 =	sadd.s32 s2, s14  }
0x8e: {  	[smem:$0x3FC2] =	sst s2  }
0x8f: {  	_ = 	snop  }
0x90: {  	s2 =	sld [smem:$0x3FD0]  }
0x91: {  	s15 =	sld [smem:$0x3FC9]  }
0x92: {  	s4 =	sld [smem:$0x3FC5]  }
0x93: {  	s6 =	simm.s32 $0xA;
	s7 =	simm.s32 $0x10;
	s5 =	sld [smem:$0x3FC4]  }
0x94: {  	[smem:s7], [sflag:s6] =	dma.local [hbm:s2], $0x1  }
0x95: {  	_ =	swait.eq [sflag:s6], $0x1  }
0x96: {  	[sflag:s6] =	ssyncset.done $0x0  }
0x97: {  	s16 =	sld [smem:$0x10];
	[sflag:s6] =	ssyncadd.s32 $0xFFFFFFFF  }
0x98: {  	s17 =	sld [smem:$0x11];
	(tm) =	ssettm $0x1  }
0x99: {  	s18 =	sld [smem:$0x3FFB];
	_ =	sdelay $0x3  }
0x9a: {  	_ =	strace s18  }
0x9b: {  	s7 =	sld [smem:$0x3FFC];
	_ =	sdelay $0x3  }
0x9c: {  	_ =	strace s7  }
0x9d: {  	s7 =	sld [smem:$0x3FFD];
	_ =	sdelay $0x3  }
0x9e: {  	_ =	strace s7  }
0x9f: {  	_ =	strace $0x8FFFFFFF  }
0xa0: {  	s19 =	sld [smem:$0x3FDB];
	_ =	sdelay $0x1  }
0xa1: {  	s8 =	simm.s32 $_scs_section_size  }
0xa2: {  	s9 =	simm.s32 $_size__tile_overlayer_lowered;
	s10 =	simm.s32 $_tile_overlayer_lowered  }
0xa3: {  	s22 =	simm.s32 $0x1BFF;
	s21 =	sshll.u32 s10, $0x1;
	s7 =	sadd.s32 s8, s19  }
0xa4: {  	s11 =	simm.s32 $0x0;
	s20 =	sshll.u32 s9, $0x1;
	s9 =	sadd.s32 s21, s7  }
0xa5: {  	[timem:s11], [sflag:s22] =	dma.local [hbm:s9], s20  }
0xa6: {  	_ =	swait.ge [sflag:s22], s20  }
0xa7: {  	s8 =	ssub.s32 $0x0, s20;
	[sflag:s22] =	ssyncset.done $0x0  }
0xa8: {  	[sflag:s22] =	ssyncadd.s32 s8;
	_ =	sdelay $0x1  }
0xa9: {  	s23 =	simm.s32 $0x1B8B  }
0xaa: {  	_ =	swait.ge [sflag:s23], $0x1  }
0xab: {  	[sflag:s23] =	ssyncset.done $0x0  }
0xac: {  	s25 =	simm.s32 $0x1B8E;
	s24 =	sld [smem:$0x3FFE];
	[sflag:s23] =	ssyncadd.s32 $0xFFFFFFFF  }
0xad: {  	s26 =	simm.s32 $execute0_lowered;
	[smem:$0x3FD2] =	sst s25  }
0xae: {  	s9 =	sshll.u32 s26, $0x1;
	_ =	strace $0x80000046;
	[dreg:$0x1] =	wrdreg $0xFFFFFFFF  }
0xaf: {  	s28 =	simm.s32 $_size_execute0_lowered;
	s7 =	sadd.s32 s7, s9;
	[dreg:$0x0] =	wrdreg $0x0  }
0xb0: {  	s9 =	sshll.u32 s28, $0x1;
	[dreg:$0x2] =	wrdreg s7  }
0xb1: {  	[dreg:$0x3] =	wrdreg s9  }
0xb2: {  	[dreg:$0x4] =	wrdreg $0xC0  }
0xb3: {  	_ =	task [dreg:s11], $0x5FFFF  }
0xb4: {  	[dreg:$0x1] =	wrdreg $0xFFFFFFFF  }
0xb5: {  	[dreg:$0x0] =	wrdreg $0x60  }
0xb6: {  	[dreg:$0x2] =	wrdreg s15  }
0xb7: {  	[dreg:$0x3] =	wrdreg s24  }
0xb8: {  	[dreg:$0x4] =	wrdreg s4  }
0xb9: {  	[dreg:$0x5] =	wrdreg s5  }
0xba: {  	[dreg:$0x6] =	wrdreg s16  }
0xbb: {  	[dreg:$0x7] =	wrdreg s17  }
0xbc: {  	[dreg:$0x8] =	wrdreg $0x9  }
0xbd: {  	_ =	task.clear_ibuf [dreg:s11], $0x9FFFF;
	_ =	strace $0x90000046  }
0xbe: {  	s29 =	simm.s32 $0x9;
	_ =	strace $0x80000048  }
0xbf: {  	_ =	swait.ge [sflag:s29], $0x1  }
0xc0: {  	[sflag:s29] =	ssyncadd.s32 $0xFFFFFFFF  }
0xc1: {  	_ =	strace $0x90000048  }
0xc2: {  	_ =	sfence  }
0xc3: {  	s30 =	sld [smem:$0x0];
	_ =	sdelay $0x2  }
0xc4: {  	s31 =	sshll.u32 s1, $0xD;
	s1 =	sshrl.u32 s1, $0x2  }
0xc5: {  	s3 =	sand.u32 $0x4000, s31;
	s1 =	sadd.s32 s1, s30  }
0xc6: {  	s0 =	sor.u32 s3, s0;
	s1 =	sshll.u32 s1, $0x11  }
0xc7: {  	s0 =	sor.u32 s1, s0  }
0xc8: {  	s0 =	sadd.s32 $0x8F2B, s0  }
0xc9: {  	[sflag:s0] =	ssyncadd.remote.s32 $0x1  }
0xca: {  	_ =	sfence.sel $0xFFFF  }
0xcb: {  	[dreg:$0x0] =	wrdreg $0xFFFFFFFF;
	(pc) =	sbr.abs _section_cstart, $3  }
0xcc: {  	[dreg:$0x1] =	wrdreg $0xFFFFFFFF  }
0xcd: {  	_ =	task.clear_ibuf [dreg:s11], $0x2FFFF;
	_ =	strace $0x9FFFFFFF  }
0xce: {  	(tm) =	ssettm $0x7FFFFFFF  }
0xcf: {  	_ =	shalt  }
tec
execute0_lowered:
.L_overlay_start_1:
0x0: {  	(tag) =	ssettag $0x1  }
0x1: {  	s0 =	rddreg [dreg:$0x0]  }
0x2: {  	s1 =	rddreg [dreg:$0x1]  }
0x3: {  	s2 =	rddreg [dreg:$0x4]  }
0x4: {  	s3 =	rddreg [dreg:$0x5];
	s4 =	simm.s32 $0x0  }
0x5: {  	s5 =	srdreg.scid;
	s7 =	stileid.u32;
	s12 =	simm.s32 $0x2  }
0x6: {  	s14 =	simm.s32 $0x400;
	s17 =	simm.s32 $0x800;
	s20 =	simm.s32 $0xC00  }
0x7: {  	s23 =	simm.s32 $0x1000;
	s26 =	simm.s32 $0x1400;
	s30 =	simm.s32 $0x1800  }
0x8: {  	s11 =	simm.s32 $0x2000;
	s16 =	simm.s32 $0x2400;
	s21 =	simm.s32 $0x2800  }
0x9: {  	s25 =	simm.s32 $0x2C00;
	s31 =	simm.s32 $0x3000;
	s13 =	simm.s32 $0x9C20  }
0xa: {  	s15 =	simm.s32 $0x9E20;
	s18 =	simm.s32 $0x0;
	[smem:$0x7FF] =	sst s4  }
0xb: {  	s6 =	sand.u32 $0x1, s5;
	s28 =	sshll.u32 s7, $0x1;
	s5 =	sadd.s32 $0x63A00, s1  }
0xc: {  	_ =	strace $0x80000047;
	s7 =	sor.u32 s6, s28;
	s8 =	ssub.s32 $0x2, s6  }
0xd: {  	s9 =	smul.u32 $0x680, s7;
	s29 =	sshrl.u32 s8, $0x1;
	s10 =	sshll.u32 s7, $0x6  }
0xe: {  	s6 =	sadd.s32 $0x1E00, s1;
	s1 =	ssub.s32 s8, s29;
	s8 =	sadd.s32 s2, s10  }
0xf: {  	s2 =	simm.s32 $0x1;
	s7 =	sadd.s32 s0, s9;
	s9 =	sadd.s32 s3, s10  }
0x10: {  	s10 =	smax.u32 s1, $0x1;
	s3 =	simm.s32 $0x1C00;
	s1 =	simm.s32 $0x9800  }
.LBB2_1:
0x11: {  	s0 =	rddreg [dreg:$0x2];
	s19 =	simm.s32 $0x9C00  }
0x12: {  	[tilespmem:s19], [sflag:$0x2] =	stream.linear.gather [hbm4b:s0+s4], $0x10, $0x38;
	[tilespmem:$0xA020] =	vst v63  }
0x13: {  	_ =	swait.ge [sflag:s12], $0x10  }
0x14: {  	[sflag:s12] =	ssyncset.done $0x0  }
0x15: {  	[sflag:s12] =	ssyncadd.s32 $0xFFFFFFF0  }
0x16: {  	s24 =	simm.s32 $0x9C10;
	s22 =	rddreg [dreg:$0x3]  }
0x17: {  	[tilespmem:s24], [sflag:$0x2] =	stream.linear.gather [hbm4b:s22+s4], $0x10, $0x38;
	[tilespmem:$0xA020] =	vst v63  }
0x18: {  	_ =	swait.ge [sflag:s12], $0x10  }
0x19: {  	[sflag:s12] =	ssyncset.done $0x0  }
0x1a: {  	[sflag:s12] =	ssyncadd.s32 $0xFFFFFFF0  }
0x1b: {  	[tilespmem:s4], [sflag:$0x2] =	stream.linear.gather [hbm4b:s7+s4], $0x3400, $0x38;
	[tilespmem:$0xA020] =	vst v63  }
0x1c: {  	_ =	swait.ge [sflag:s12], $0x3400  }
0x1d: {  	[sflag:s12] =	ssyncset.done $0x0  }
0x1e: {  	s19 =	simm.s32 $0x3400;
	[sflag:s12] =	ssyncadd.s32 $0xFFFFCC00  }
0x1f: {  	[tilespmem:s19], [sflag:$0x1] =	stream.indirect.gather [hbm4b:s5+s14], $0x1, s4, s14, $0xb8;
	[tilespmem:$0xA020] =	vst v63  }
0x20: {  	s22 =	simm.s32 $0x6800  }
0x21: {  	[tilespmem:s22], [sflag:$0x1] =	stream.indirect.gather [hbm4b:s6+s14], $0x1, s4, s14, $0xb8;
	[tilespmem:$0xA020] =	vst v63  }
0x22: {  	s28 =	simm.s32 $0x3800  }
0x23: {  	[tilespmem:s28], [sflag:$0x1] =	stream.indirect.gather [hbm4b:s5+s14], $0x1, s14, s14, $0xb8;
	[tilespmem:$0xA020] =	vst v63  }
0x24: {  	s29 =	simm.s32 $0x6C00  }
0x25: {  	[tilespmem:s29], [sflag:$0x1] =	stream.indirect.gather [hbm4b:s6+s14], $0x1, s14, s14, $0xb8;
	[tilespmem:$0xA020] =	vst v63  }
0x26: {  	s24 =	simm.s32 $0x3C00  }
0x27: {  	[tilespmem:s24], [sflag:$0x1] =	stream.indirect.gather [hbm4b:s5+s14], $0x1, s17, s14, $0xb8;
	[tilespmem:$0xA020] =	vst v63  }
0x28: {  	s28 =	simm.s32 $0x7000  }
0x29: {  	[tilespmem:s28], [sflag:$0x1] =	stream.indirect.gather [hbm4b:s6+s14], $0x1, s17, s14, $0xb8;
	[tilespmem:$0xA020] =	vst v63  }
0x2a: {  	s29 =	simm.s32 $0x4000  }
0x2b: {  	[tilespmem:s29], [sflag:$0x1] =	stream.indirect.gather [hbm4b:s5+s14], $0x1, s20, s14, $0xb8;
	[tilespmem:$0xA020] =	vst v63  }
0x2c: {  	s24 =	simm.s32 $0x7400  }
0x2d: {  	[tilespmem:s24], [sflag:$0x1] =	stream.indirect.gather [hbm4b:s6+s14], $0x1, s20, s14, $0xb8;
	[tilespmem:$0xA020] =	vst v63  }
0x2e: {  	s28 =	simm.s32 $0x4400  }
0x2f: {  	[tilespmem:s28], [sflag:$0x1] =	stream.indirect.gather [hbm4b:s5+s14], $0x1, s23, s14, $0xb8;
	[tilespmem:$0xA020] =	vst v63  }
0x30: {  	s29 =	simm.s32 $0x7800  }
0x31: {  	[tilespmem:s29], [sflag:$0x1] =	stream.indirect.gather [hbm4b:s6+s14], $0x1, s23, s14, $0xb8;
	[tilespmem:$0xA020] =	vst v63  }
0x32: {  	s24 =	simm.s32 $0x4800  }
0x33: {  	[tilespmem:s24], [sflag:$0x1] =	stream.indirect.gather [hbm4b:s5+s14], $0x1, s26, s14, $0xb8;
	[tilespmem:$0xA020] =	vst v63  }
0x34: {  	s28 =	simm.s32 $0x7C00  }
0x35: {  	[tilespmem:s28], [sflag:$0x1] =	stream.indirect.gather [hbm4b:s6+s14], $0x1, s26, s14, $0xb8;
	[tilespmem:$0xA020] =	vst v63  }
0x36: {  	s29 =	simm.s32 $0x4C00  }
0x37: {  	[tilespmem:s29], [sflag:$0x1] =	stream.indirect.gather [hbm4b:s5+s14], $0x1, s30, s14, $0xb8;
	[tilespmem:$0xA020] =	vst v63  }
0x38: {  	s24 =	simm.s32 $0x8000  }
0x39: {  	[tilespmem:s24], [sflag:$0x1] =	stream.indirect.gather [hbm4b:s6+s14], $0x1, s30, s14, $0xb8;
	[tilespmem:$0xA020] =	vst v63  }
0x3a: {  	s28 =	simm.s32 $0x5000  }
0x3b: {  	[tilespmem:s28], [sflag:$0x1] =	stream.indirect.gather [hbm4b:s5+s14], $0x1, s3, s14, $0xb8;
	[tilespmem:$0xA020] =	vst v63  }
0x3c: {  	s29 =	simm.s32 $0x8400  }
0x3d: {  	[tilespmem:s29], [sflag:$0x1] =	stream.indirect.gather [hbm4b:s6+s14], $0x1, s3, s14, $0xb8;
	[tilespmem:$0xA020] =	vst v63  }
0x3e: {  	s24 =	simm.s32 $0x5400  }
0x3f: {  	[tilespmem:s24], [sflag:$0x1] =	stream.indirect.gather [hbm4b:s5+s14], $0x1, s11, s14, $0xb8;
	[tilespmem:$0xA020] =	vst v63  }
0x40: {  	s28 =	simm.s32 $0x8800  }
0x41: {  	[tilespmem:s28], [sflag:$0x1] =	stream.indirect.gather [hbm4b:s6+s14], $0x1, s11, s14, $0xb8;
	[tilespmem:$0xA020] =	vst v63  }
0x42: {  	s29 =	simm.s32 $0x5800  }
0x43: {  	[tilespmem:s29], [sflag:$0x1] =	stream.indirect.gather [hbm4b:s5+s14], $0x1, s16, s14, $0xb8;
	[tilespmem:$0xA020] =	vst v63  }
0x44: {  	s24 =	simm.s32 $0x8C00  }
0x45: {  	[tilespmem:s24], [sflag:$0x1] =	stream.indirect.gather [hbm4b:s6+s14], $0x1, s16, s14, $0xb8;
	[tilespmem:$0xA020] =	vst v63  }
0x46: {  	s28 =	simm.s32 $0x5C00  }
0x47: {  	[tilespmem:s28], [sflag:$0x1] =	stream.indirect.gather [hbm4b:s5+s14], $0x1, s21, s14, $0xb8;
	[tilespmem:$0xA020] =	vst v63  }
0x48: {  	s29 =	simm.s32 $0x9000  }
0x49: {  	[tilespmem:s29], [sflag:$0x1] =	stream.indirect.gather [hbm4b:s6+s14], $0x1, s21, s14, $0xb8;
	[tilespmem:$0xA020] =	vst v63  }
0x4a: {  	s24 =	simm.s32 $0x6000  }
0x4b: {  	[tilespmem:s24], [sflag:$0x1] =	stream.indirect.gather [hbm4b:s5+s14], $0x1, s25, s14, $0xb8;
	[tilespmem:$0xA020] =	vst v63  }
0x4c: {  	s28 =	simm.s32 $0x9400  }
0x4d: {  	[tilespmem:s28], [sflag:$0x1] =	stream.indirect.gather [hbm4b:s6+s14], $0x1, s25, s14, $0xb8;
	[tilespmem:$0xA020] =	vst v63  }
0x4e: {  	s29 =	simm.s32 $0x6400  }
0x4f: {  	[tilespmem:s29], [sflag:$0x1] =	stream.indirect.gather [hbm4b:s5+s14], $0x1, s31, s14, $0xb8;
	[tilespmem:$0xA020] =	vst v63  }
0x50: {  	_ = 	snop  }
0x51: {  	[tilespmem:s1], [sflag:$0x1] =	stream.indirect.gather [hbm4b:s6+s14], $0x1, s31, s14, $0xb8;
	[tilespmem:$0xA020] =	vst v63  }
0x52: {  	_ =	swait.ge [sflag:s2], $0x400  }
0x53: {  	[sflag:s2] =	ssyncset.done $0x0  }
0x54: {  	[sflag:s2] =	ssyncadd.s32 $0xFFFFFC00  }
0x55: {  	_ =	swait.ge [sflag:s2], $0x400  }
0x56: {  	[sflag:s2] =	ssyncset.done $0x0  }
0x57: {  	[sflag:s2] =	ssyncadd.s32 $0xFFFFFC00  }
0x58: {  	_ =	swait.ge [sflag:s2], $0x400  }
0x59: {  	[sflag:s2] =	ssyncset.done $0x0  }
0x5a: {  	[sflag:s2] =	ssyncadd.s32 $0xFFFFFC00  }
0x5b: {  	_ =	swait.ge [sflag:s2], $0x400  }
0x5c: {  	[sflag:s2] =	ssyncset.done $0x0  }
0x5d: {  	[sflag:s2] =	ssyncadd.s32 $0xFFFFFC00  }
0x5e: {  	_ =	swait.ge [sflag:s2], $0x400  }
0x5f: {  	[sflag:s2] =	ssyncset.done $0x0  }
0x60: {  	[sflag:s2] =	ssyncadd.s32 $0xFFFFFC00  }
0x61: {  	_ =	swait.ge [sflag:s2], $0x400  }
0x62: {  	[sflag:s2] =	ssyncset.done $0x0  }
0x63: {  	[sflag:s2] =	ssyncadd.s32 $0xFFFFFC00  }
0x64: {  	_ =	swait.ge [sflag:s2], $0x400  }
0x65: {  	[sflag:s2] =	ssyncset.done $0x0  }
0x66: {  	[sflag:s2] =	ssyncadd.s32 $0xFFFFFC00  }
0x67: {  	_ =	swait.ge [sflag:s2], $0x400  }
0x68: {  	[sflag:s2] =	ssyncset.done $0x0  }
0x69: {  	[sflag:s2] =	ssyncadd.s32 $0xFFFFFC00  }
0x6a: {  	_ =	swait.ge [sflag:s2], $0x400  }
0x6b: {  	[sflag:s2] =	ssyncset.done $0x0  }
0x6c: {  	[sflag:s2] =	ssyncadd.s32 $0xFFFFFC00  }
0x6d: {  	_ =	swait.ge [sflag:s2], $0x400  }
0x6e: {  	[sflag:s2] =	ssyncset.done $0x0  }
0x6f: {  	[sflag:s2] =	ssyncadd.s32 $0xFFFFFC00  }
0x70: {  	_ =	swait.ge [sflag:s2], $0x400  }
0x71: {  	[sflag:s2] =	ssyncset.done $0x0  }
0x72: {  	[sflag:s2] =	ssyncadd.s32 $0xFFFFFC00  }
0x73: {  	_ =	swait.ge [sflag:s2], $0x400  }
0x74: {  	[sflag:s2] =	ssyncset.done $0x0  }
0x75: {  	[sflag:s2] =	ssyncadd.s32 $0xFFFFFC00  }
0x76: {  	_ =	swait.ge [sflag:s2], $0x400  }
0x77: {  	[sflag:s2] =	ssyncset.done $0x0  }
0x78: {  	[sflag:s2] =	ssyncadd.s32 $0xFFFFFC00  }
0x79: {  	_ =	swait.ge [sflag:s2], $0x400  }
0x7a: {  	[sflag:s2] =	ssyncset.done $0x0  }
0x7b: {  	[sflag:s2] =	ssyncadd.s32 $0xFFFFFC00  }
0x7c: {  	_ =	swait.ge [sflag:s2], $0x400  }
0x7d: {  	[sflag:s2] =	ssyncset.done $0x0  }
0x7e: {  	[sflag:s2] =	ssyncadd.s32 $0xFFFFFC00  }
0x7f: {  	_ =	swait.ge [sflag:s2], $0x400  }
0x80: {  	[sflag:s2] =	ssyncset.done $0x0  }
0x81: {  	[sflag:s2] =	ssyncadd.s32 $0xFFFFFC00  }
0x82: {  	_ =	swait.ge [sflag:s2], $0x400  }
0x83: {  	[sflag:s2] =	ssyncset.done $0x0  }
0x84: {  	[sflag:s2] =	ssyncadd.s32 $0xFFFFFC00  }
0x85: {  	_ =	swait.ge [sflag:s2], $0x400  }
0x86: {  	[sflag:s2] =	ssyncset.done $0x0  }
0x87: {  	[sflag:s2] =	ssyncadd.s32 $0xFFFFFC00  }
0x88: {  	_ =	swait.ge [sflag:s2], $0x400  }
0x89: {  	[sflag:s2] =	ssyncset.done $0x0  }
0x8a: {  	[sflag:s2] =	ssyncadd.s32 $0xFFFFFC00  }
0x8b: {  	_ =	swait.ge [sflag:s2], $0x400  }
0x8c: {  	[sflag:s2] =	ssyncset.done $0x0  }
0x8d: {  	[sflag:s2] =	ssyncadd.s32 $0xFFFFFC00  }
0x8e: {  	_ =	swait.ge [sflag:s2], $0x400  }
0x8f: {  	[sflag:s2] =	ssyncset.done $0x0  }
0x90: {  	[sflag:s2] =	ssyncadd.s32 $0xFFFFFC00  }
0x91: {  	_ =	swait.ge [sflag:s2], $0x400  }
0x92: {  	[sflag:s2] =	ssyncset.done $0x0  }
0x93: {  	[sflag:s2] =	ssyncadd.s32 $0xFFFFFC00  }
0x94: {  	_ =	swait.ge [sflag:s2], $0x400  }
0x95: {  	[sflag:s2] =	ssyncset.done $0x0  }
0x96: {  	[sflag:s2] =	ssyncadd.s32 $0xFFFFFC00  }
0x97: {  	_ =	swait.ge [sflag:s2], $0x400  }
0x98: {  	[sflag:s2] =	ssyncset.done $0x0  }
0x99: {  	[sflag:s2] =	ssyncadd.s32 $0xFFFFFC00  }
0x9a: {  	_ =	swait.ge [sflag:s2], $0x400  }
0x9b: {  	[sflag:s2] =	ssyncset.done $0x0  }
0x9c: {  	[sflag:s2] =	ssyncadd.s32 $0xFFFFFC00  }
0x9d: {  	_ =	swait.ge [sflag:s2], $0x400  }
0x9e: {  	[sflag:s2] =	ssyncset.done $0x0  }
0x9f: {  	s24 =	simm.s32 $0x0;
	[sflag:s2] =	ssyncadd.s32 $0xFFFFFC00  }
.LBB2_2:
0xa0: {  	v1 =	vmov s22  }
0xa1: {  	v4 =	vmov s19;
	_ =	sdelay $0x1  }
0xa2: {  	v3 =	vld [tilespmem:$0x9C00]  }
0xa3: {  	v0 =	vld [tilespmem:$0x9C10];
	s0 =	simm.s32 $0x0  }
0xa4: {  	v2 =	vld.idx.msk [tilespmem:v1+s0+$0x0 ss:$0x1], $0xffff  }
0xa5: {  	s28 =	sshll.u32 s24, $0x4;
	s29 =	simm.s32 $0x800;
	v5 =	vld.idx.msk [tilespmem:v4+s0+$0x0 ss:$0x1], $0xffff  }
.LBB2_3:
0xa6: {  	p0 =	sne.s32 s29, $0xC800  }
.Ltmp0:
0xa7: {  	_ = 	snop;
	(pc) =	sbr.rel @p0 .LBB2_3-.Ltmp0, $4  }
0xa8: {  	_ = 	snop  }
0xa9: {  	s0 =	sshra.s32 s29, $0x2;
	s29 =	sadd.s32 $0x800, s29  }
0xaa: {  	v0 =	vadd.f32 v2, v0;
	v2 =	vld.idx.msk [tilespmem:v1+s0+$0x0 ss:$0x1], $0xffff  }
0xab: {  	v3 =	vadd.f32 v5, v3;
	v5 =	vld.idx.msk [tilespmem:v4+s0+$0x0 ss:$0x1], $0xffff  }
0xac: {  	_ =	sdelay $0x3  }
0xad: {  	v1 =	vadd.f32 v5, v3;
	_ =	sdelay $0x1  }
0xae: {  	v1 =	vsub.f32 $0.0e+00, v1;
	_ =	sdelay $0x1  }
0xaf: {  	v1 =	vmul.f32 $1.442695020e+00, v1;
	_ =	sdelay $0x1  }
0xb0: {  	(erf) = vpow2.f32 v1;
	_ =	sdelay $0x8  }
0xb1: {  	v0 =	vadd.f32 v2, v0;
	v1 =	vpop (erf)  }
0xb2: {  	v1 =	vadd.f32 $1.000000000e+00, v1  }
0xb3: {  	v0 =	vmul.f32 $1.442695020e+00, v0  }
0xb4: {  	(erf) = vrcp.f32 v1  }
0xb5: {  	(erf) = vpow2.f32 v0;
	_ =	sdelay $0x3  }
0xb6: {  	s24 =	sadd.s32 $0x1, s24  }
0xb7: {  	p0 =	sne.s32 s24, $0x20  }
.Ltmp1:
0xb8: {  	_ = 	snop;
	(pc) =	sbr.rel @p0 .LBB2_2-.Ltmp1, $4  }
0xb9: {  	_ = 	snop  }
0xba: {  	v62 =	vpop (erf)  }
0xbb: {  	[tilespmem:s28+$0x9C20] =	vst v62;
	v63 =	vpop (erf)  }
0xbc: {  	s19 =	sadd.s32 $0x10, s19;
	s22 =	sadd.s32 $0x10, s22;
	[tilespmem:s28+$0x9E20] =	vst v63  }
0xbd: {  	[hbm4b:s8+s4] =	stream.linear.scatter [tilespmem:s13], [sflag:$0x2], $0x200, $0x38;
	[tilespmem:$0xA020] =	vst v63  }
0xbe: {  	s18 =	sadd.s32 $0x1, s18;
	_ =	swait.ge [sflag:s12], $0x200  }
0xbf: {  	p0 =	sne.s32 s18, s10;
	[sflag:s12] =	ssyncset.done $0x0  }
.Ltmp2:
0xc0: {  	[sflag:s12] =	ssyncadd.s32 $0xFFFFFE00;
	(pc) =	sbr.rel @p0 .LBB2_1-.Ltmp2, $4  }
0xc1: {  	[hbm4b:s9+s4] =	stream.linear.scatter [tilespmem:s15], [sflag:$0x2], $0x200, $0x38;
	[tilespmem:$0xA020] =	vst v63  }
0xc2: {  	_ =	swait.ge [sflag:s12], $0x200  }
0xc3: {  	[sflag:s12] =	ssyncset.done $0x0  }
0xc4: {  	[sflag:s12] =	ssyncadd.s32 $0xFFFFFE00  }
0xc5: {  	_ =	sfence.sel $0x180000  }
0xc6: {  	[bflag:$0x0] =	sbarrier.arrive $0xFFFF  }
0xc7: {  	_ =	strace $0x90000047  }
0xc8: {  	s0 =	stileid.u32;
	[bflag:$0x2] =	sbarrier.arrive $0xFFFF  }
0xc9: {  	p0 =	sne.s32 s0, $0x0;
	s0 =	rddreg [dreg:$0x6]  }
0xca: {  	s0 =	sadd.s32 @!p0 $0x100000, s0  }
0xcb: {  	[sflag:s0] =	ssyncadd.tile.s32 @!p0 $0x1;
	_ =	shalt  }
.Lfunc_end2:
_tile_overlayer_lowered:
.L_overlay_start_2:
0xcc: {  	(tag) =	ssettag $0x2  }
0xcd: {  	s0 =	rddreg [dreg:$0x0];
	s2 =	stileid.u32  }
0xce: {  	s1 =	rddreg [dreg:$0x1];
	p0 =	sne.s32 s2, $0x0  }
0xcf: {  	s3 =	rddreg [dreg:$0x2];
	[bflag:$0x3] =	sbarrier.arrive $0xFFFF;
	s2 =	simm.s32 @!p0 $0x1C02  }
0xd0: {  	[timem:s3], [sflag:s2] =	dma.local @!p0 [hbm:s0], s1  }
0xd1: {  	s0 =	simm.s32 @!p0 $0x2  }
0xd2: {  	_ =	swait.ge @!p0 [sflag:s0], s1  }
0xd3: {  	s1 =	ssub.s32 @!p0 $0x0, s1;
	[sflag:s0] =	ssyncset.done @!p0 $0x0  }
0xd4: {  	[sflag:s0] =	ssyncadd.s32 @!p0 s1  }
0xd5: {  	[bflag:$0x3] =	sbarrier.arrive $0xFFFF  }
0xd6: {  	_ =	shalt  }

</sc_bundles>
